<compile_context>
chip_gen: v7x
topology: tpu7x:2x2x1
jax: 0.10.2.dev20260603
libtpu: 0.0.44.dev20260713+nightly
codegen_flags: <defaults>
</compile_context>

<pallas_src>
import functools

import jax
import jax.numpy as jnp
from jax import lax
from jax.experimental import pallas as pl
from jax.experimental.pallas import tpu as pltpu
from jax.experimental.pallas import tpu_sc as plsc

N = 10000
E = 320000
D = 128

NC = 2
NS = 16
NW = NC * NS
EPW = E // NW
C = 80
U = EPW // C
NSID = 3
NP = 10240
RPT = NP // NS
ZR = 32

_f32 = jnp.float32


def _sc_mesh_kernel():
    mesh = plsc.VectorSubcoreMesh(core_axis_name="c", subcore_axis_name="s")

    @functools.partial(
        pl.kernel,
        out_type=(
            jax.ShapeDtypeStruct((NC, NP, D), _f32),
            jax.ShapeDtypeStruct((NW * NP,), _f32),
        ),
        mesh=mesh,
        compiler_params=pltpu.CompilerParams(needs_layout_passes=False),
        scratch_types=[
            [pltpu.VMEM((C, D), _f32) for _ in range(NSID)],
            [pltpu.VMEM((C,), jnp.int32) for _ in range(NSID)],
            [pltpu.VMEM((C,), jnp.int32) for _ in range(NSID)],
            pltpu.VMEM((NP,), _f32),
            pltpu.VMEM((ZR, D), _f32),
            pltpu.VMEM_SHARED((NP, D), _f32),
            [pltpu.SemaphoreType.DMA for _ in range(NSID)],
            [pltpu.SemaphoreType.DMA for _ in range(NSID)],
            [pltpu.SemaphoreType.DMA for _ in range(NSID)],
        ],
    )
    def sc_kernel(x_hbm, ei_hbm, agg_out, deg_out,
                  rows, srcb, dstb, degh, zero_v,
                  agg_sh, gsem, isem, ssem):
        c = lax.axis_index("c")
        s = lax.axis_index("s")
        w = c * NS + s

        zeros16 = jnp.zeros((16,), _f32)
        ones16 = jnp.ones((16,), _f32)

        def zrow(r, carry):
            for d16 in range(D // 16):
                zero_v[r, pl.ds(d16 * 16, 16)] = zeros16
            return carry
        lax.fori_loop(0, ZR, zrow, 0)

        def zdeg(r, carry):
            degh[pl.ds(r * 16, 16)] = zeros16
            return carry
        lax.fori_loop(0, NP // 16, zdeg, 0)
        row0 = s * RPT

        def issue_idx(u, sd):
            off = pl.multiple_of(w * EPW + u * C, 8)
            pltpu.async_copy(ei_hbm.at[pl.ds(off, C)], srcb[sd], isem[sd])
            pltpu.async_copy(ei_hbm.at[pl.ds(off + E, C)], dstb[sd],
                             isem[sd])

        def wait_idx(sd):
            pltpu.make_async_copy(ei_hbm.at[pl.ds(0, C)], srcb[sd],
                                  isem[sd]).wait()
            pltpu.make_async_copy(ei_hbm.at[pl.ds(0, C)], dstb[sd],
                                  isem[sd]).wait()

        def issue_gather(sd):
            pltpu.async_copy(x_hbm.at[srcb[sd]], rows[sd], gsem[sd])

        def wait_gather(sd):
            pltpu.make_async_copy(x_hbm.at[srcb[sd]], rows[sd],
                                  gsem[sd]).wait()

        def issue_scatters(sd):
            pltpu.async_copy(rows[sd], agg_sh.at[dstb[sd]], ssem[sd],
                             add=True)
            for k16 in range(C // 16):
                idx16 = dstb[sd][pl.ds(k16 * 16, 16)]
                plsc.addupdate_scatter(degh, [idx16], ones16)

        def wait_scatters(sd):
            pltpu.make_async_copy(rows[sd], agg_sh.at[dstb[sd]],
                                  ssem[sd]).wait()

        def do_phase(u, su, s1, s2):
            wait_scatters(su)
            issue_idx(u, su)
            wait_idx(s1)
            issue_gather(s1)
            wait_gather(s2)
            issue_scatters(s2)

        issue_idx(0, 0)
        issue_idx(1, 1)
        wait_idx(0)
        issue_gather(0)
        issue_idx(2, 2)
        wait_idx(1)
        issue_gather(1)

        for k in range(RPT // ZR):
            pltpu.sync_copy(zero_v, agg_sh.at[pl.ds(row0 + k * ZR, ZR)])
        plsc.subcore_barrier()

        wait_gather(0)
        issue_scatters(0)

        def body(t, carry):
            u = 3 + 3 * t
            do_phase(u, 0, 2, 1)
            do_phase(u + 1, 1, 0, 2)
            do_phase(u + 2, 2, 1, 0)
            return carry
        lax.fori_loop(0, (U - 5) // NSID, body, 0)

        do_phase(U - 2, 0, 2, 1)
        do_phase(U - 1, 1, 0, 2)
        wait_idx(1)
        issue_gather(1)
        wait_gather(0)
        issue_scatters(0)
        wait_gather(1)
        issue_scatters(1)
        wait_scatters(2)
        wait_scatters(0)
        wait_scatters(1)
        plsc.subcore_barrier()

        pltpu.sync_copy(agg_sh.at[pl.ds(row0, RPT)],
                        agg_out.at[c, pl.ds(row0, RPT)])
        pltpu.sync_copy(degh, deg_out.at[pl.ds(w * NP, NP)])

    return sc_kernel


_sc_scatter = _sc_mesh_kernel()


_RC = 2048


def _combine_body(x_ref, agg_ref, deg_ref, ws_ref, wn_ref, b_ref, out_ref):
    i = pl.program_id(0)
    a = agg_ref[0] + agg_ref[1]
    d_blk = deg_ref[:, pl.ds(i * _RC, _RC)]
    d = jnp.sum(d_blk, axis=0).reshape(_RC, 1)
    inv = 1.0 / jnp.maximum(d, 1.0)
    m = a * inv
    out_ref[...] = (
        jnp.dot(x_ref[...], ws_ref[...], preferred_element_type=_f32)
        + jnp.dot(m, wn_ref[...], preferred_element_type=_f32)
        + b_ref[...]
    )


def _tc_combine(x, agg2, deg2, W_self, W_nbr, b):
    grid = (NP // _RC,)
    return pl.pallas_call(
        _combine_body,
        grid=grid,
        in_specs=[
            pl.BlockSpec((_RC, D), lambda i: (i, 0)),
            pl.BlockSpec((NC, _RC, D), lambda i: (0, i, 0)),
            pl.BlockSpec((NW, NP), lambda i: (0, 0)),
            pl.BlockSpec((D, D), lambda i: (0, 0)),
            pl.BlockSpec((D, D), lambda i: (0, 0)),
            pl.BlockSpec((1, D), lambda i: (0, 0)),
        ],
        out_specs=pl.BlockSpec((_RC, D), lambda i: (i, 0)),
        out_shape=jax.ShapeDtypeStruct((N, D), _f32),
    )(x, agg2, deg2, W_self, W_nbr, b)


@jax.jit
def kernel(x, edge_index, W_self, W_nbr, b):
    ei_flat = edge_index.reshape(2 * E)
    agg2, deg2 = _sc_scatter(x, ei_flat)
    deg2 = deg2.reshape(NW, NP)
    return _tc_combine(x, agg2, deg2, W_self, W_nbr, b.reshape(1, D))

# --- scband reference (transcript-rebuilt; emitter-appended) ---
"""Pipeline reference for scband-gnnwrapper-2362232013067 (READ-ONLY COPY).

The authoritative reference and input builder live on the scoring server;
editing this copy changes nothing except your own understanding.
"""

import jax, jax.numpy as jnp
import numpy as np

N = 10000
E = 320000
D = 128

def setup_inputs(seed: int = 0) -> dict:
    key = jax.random.key(seed)
    k1, k2, k3, k4 = jax.random.split(key, 4)
    x = jax.random.normal(k1, (N, D), dtype=jnp.float32)
    edge_index = jax.random.randint(k2, (2, E), 0, N, dtype=jnp.int32)
    # learned params of the wrapped GNN (GraphConv-style: self transform + neighbor transform)
    W_self = jax.random.normal(k3, (D, D), dtype=jnp.float32) * (1.0 / np.sqrt(D))
    W_nbr = jax.random.normal(k4, (D, D), dtype=jnp.float32) * (1.0 / np.sqrt(D))
    b = jnp.zeros((D,), dtype=jnp.float32)
    return {"x": x, "edge_index": edge_index, "W_self": W_self, "W_nbr": W_nbr, "b": b}

def reference(x, edge_index, W_self, W_nbr, b):
    # GNNWrapper.forward with use_edge_weights=False, use_edge_attr=False,
    # access_graph_index=False: simply dispatches to self.gnn(x, data.edge_index).
    # Wrapped gnn = GraphConv with mean aggregation:
    #   out = x @ W_self + mean_{j in N(i)} x_j @ W_nbr + b
    src = edge_index[0]
    dst = edge_index[1]
    msgs = jnp.take(x, src, axis=0)                                   # gather [E, D]
    agg = jax.ops.segment_sum(msgs, dst, num_segments=x.shape[0])     # scatter-add [N, D]
    deg = jax.ops.segment_sum(jnp.ones((src.shape[0],), dtype=x.dtype), dst, num_segments=x.shape[0])
    agg = agg / jnp.maximum(deg, 1.0)[:, None]                        # mean aggregation
    return x @ W_self + agg @ W_nbr + b

if __name__ == "__main__":
    import jax
    _d = setup_inputs()
    print(jax.jit(kernel)(*tuple(_d.values())))

</pallas_src>

<mosaic_0001>
#map = affine_map<(d0, d1) -> (0, 0)>
#map1 = affine_map<(d0, d1) -> (0)>
#map2 = affine_map<(d0, d1) -> (0, 0, 0)>
module attributes {stable_mosaic.version = 14 : i64} {
  func.func @sc_kernel(%arg0: i32, %arg1: i32, %arg2: memref<10000x128xf32, #tpu.memory_space<hbm>>, %arg3: memref<640000xi32, #tpu.memory_space<hbm>>, %arg4: memref<2x10240x128xf32, #tpu.memory_space<hbm>>, %arg5: memref<327680xf32, #tpu.memory_space<hbm>>, %arg6: memref<80x128xf32, #tpu.memory_space<vmem>>, %arg7: memref<80x128xf32, #tpu.memory_space<vmem>>, %arg8: memref<80x128xf32, #tpu.memory_space<vmem>>, %arg9: memref<80xi32, #tpu.memory_space<vmem>>, %arg10: memref<80xi32, #tpu.memory_space<vmem>>, %arg11: memref<80xi32, #tpu.memory_space<vmem>>, %arg12: memref<80xi32, #tpu.memory_space<vmem>>, %arg13: memref<80xi32, #tpu.memory_space<vmem>>, %arg14: memref<80xi32, #tpu.memory_space<vmem>>, %arg15: memref<10240xf32, #tpu.memory_space<vmem>>, %arg16: memref<32x128xf32, #tpu.memory_space<vmem>>, %arg17: memref<10240x128xf32, #tpu.memory_space<vmem_shared>>, %arg18: memref<!tpu.dma_semaphore, #tpu.memory_space<semaphore_mem>>, %arg19: memref<!tpu.dma_semaphore, #tpu.memory_space<semaphore_mem>>, %arg20: memref<!tpu.dma_semaphore, #tpu.memory_space<semaphore_mem>>, %arg21: memref<!tpu.dma_semaphore, #tpu.memory_space<semaphore_mem>>, %arg22: memref<!tpu.dma_semaphore, #tpu.memory_space<semaphore_mem>>, %arg23: memref<!tpu.dma_semaphore, #tpu.memory_space<semaphore_mem>>, %arg24: memref<!tpu.dma_semaphore, #tpu.memory_space<semaphore_mem>>, %arg25: memref<!tpu.dma_semaphore, #tpu.memory_space<semaphore_mem>>, %arg26: memref<!tpu.dma_semaphore, #tpu.memory_space<semaphore_mem>>) attributes {dimension_semantics = [#tpu.dimension_semantics<core_parallel>, #tpu.dimension_semantics<subcore_parallel>], iteration_bounds = array<i64: 2, 16>, scalar_prefetch = 0 : i64, scratch_operands = 21 : i64, tpu.core_type = #tpu.core_type<sc_vector_subcore>, window_params = [{transform_indices = #map}, {transform_indices = #map1}, {transform_indices = #map2}, {transform_indices = #map1}]} {
    %mul3A = arith.constant 16 : i32
    %mul3A_0 = arith.muli %arg0, %mul3A : i32
    %add3A = arith.addi %mul3A_0, %arg1 : i32
    %broadcast_in_dim3A = arith.constant 0.000000e+00 : f32
    %broadcast_in_dim3A_1 = vector.broadcast %broadcast_in_dim3A : f32 to vector<16xf32>
    %broadcast_in_dim3A_2 = arith.constant 1.000000e+00 : f32
    %broadcast_in_dim3A_3 = vector.broadcast %broadcast_in_dim3A_2 : f32 to vector<16xf32>
    %scan3A = arith.constant 0 : i32
    %scan3A_4 = arith.constant 0 : i32
    %scan3A_5 = arith.constant 32 : i32
    %scan3A_6 = arith.addi %scan3A_4, %scan3A_5 : i32
    %scan3A_7 = arith.constant 1 : i32
    scf.for %scan3A_267 = %scan3A_4 to %scan3A_6 step %scan3A_7  : i32 {
      %swap3A = arith.index_cast %scan3A_267 : i32 to index
      %swap3A_268 = arith.constant 0 : index
      %swap3A_269 = tpu.vector_load %arg16[%swap3A, %swap3A_268] {strides = array<i32>} : memref<32x128xf32, #tpu.memory_space<vmem>>, vector<16xf32>,
      tpu.vector_store %arg16[%swap3A, %swap3A_268], %broadcast_in_dim3A_1 {strides = array<i32>} : memref<32x128xf32, #tpu.memory_space<vmem>>, vector<16xf32>,
      %swap3A_270 = arith.index_cast %scan3A_267 : i32 to index
      %swap3A_271 = arith.constant 16 : index
      %swap3A_272 = tpu.vector_load %arg16[%swap3A_270, %swap3A_271] {strides = array<i32>} : memref<32x128xf32, #tpu.memory_space<vmem>>, vector<16xf32>,
      tpu.vector_store %arg16[%swap3A_270, %swap3A_271], %broadcast_in_dim3A_1 {strides = array<i32>} : memref<32x128xf32, #tpu.memory_space<vmem>>, vector<16xf32>,
      %swap3A_273 = arith.index_cast %scan3A_267 : i32 to index
      %swap3A_274 = arith.constant 32 : index
      %swap3A_275 = tpu.vector_load %arg16[%swap3A_273, %swap3A_274] {strides = array<i32>} : memref<32x128xf32, #tpu.memory_space<vmem>>, vector<16xf32>,
      tpu.vector_store %arg16[%swap3A_273, %swap3A_274], %broadcast_in_dim3A_1 {strides = array<i32>} : memref<32x128xf32, #tpu.memory_space<vmem>>, vector<16xf32>,
      %swap3A_276 = arith.index_cast %scan3A_267 : i32 to index
      %swap3A_277 = arith.constant 48 : index
      %swap3A_278 = tpu.vector_load %arg16[%swap3A_276, %swap3A_277] {strides = array<i32>} : memref<32x128xf32, #tpu.memory_space<vmem>>, vector<16xf32>,
      tpu.vector_store %arg16[%swap3A_276, %swap3A_277], %broadcast_in_dim3A_1 {strides = array<i32>} : memref<32x128xf32, #tpu.memory_space<vmem>>, vector<16xf32>,
      %swap3A_279 = arith.index_cast %scan3A_267 : i32 to index
      %swap3A_280 = arith.constant 64 : index
      %swap3A_281 = tpu.vector_load %arg16[%swap3A_279, %swap3A_280] {strides = array<i32>} : memref<32x128xf32, #tpu.memory_space<vmem>>, vector<16xf32>,
      tpu.vector_store %arg16[%swap3A_279, %swap3A_280], %broadcast_in_dim3A_1 {strides = array<i32>} : memref<32x128xf32, #tpu.memory_space<vmem>>, vector<16xf32>,
      %swap3A_282 = arith.index_cast %scan3A_267 : i32 to index
      %swap3A_283 = arith.constant 80 : index
      %swap3A_284 = tpu.vector_load %arg16[%swap3A_282, %swap3A_283] {strides = array<i32>} : memref<32x128xf32, #tpu.memory_space<vmem>>, vector<16xf32>,
      tpu.vector_store %arg16[%swap3A_282, %swap3A_283], %broadcast_in_dim3A_1 {strides = array<i32>} : memref<32x128xf32, #tpu.memory_space<vmem>>, vector<16xf32>,
      %swap3A_285 = arith.index_cast %scan3A_267 : i32 to index
      %swap3A_286 = arith.constant 96 : index
      %swap3A_287 = tpu.vector_load %arg16[%swap3A_285, %swap3A_286] {strides = array<i32>} : memref<32x128xf32, #tpu.memory_space<vmem>>, vector<16xf32>,
      tpu.vector_store %arg16[%swap3A_285, %swap3A_286], %broadcast_in_dim3A_1 {strides = array<i32>} : memref<32x128xf32, #tpu.memory_space<vmem>>, vector<16xf32>,
      %swap3A_288 = arith.index_cast %scan3A_267 : i32 to index
      %swap3A_289 = arith.constant 112 : index
      %swap3A_290 = tpu.vector_load %arg16[%swap3A_288, %swap3A_289] {strides = array<i32>} : memref<32x128xf32, #tpu.memory_space<vmem>>, vector<16xf32>,
      tpu.vector_store %arg16[%swap3A_288, %swap3A_289], %broadcast_in_dim3A_1 {strides = array<i32>} : memref<32x128xf32, #tpu.memory_space<vmem>>, vector<16xf32>,
    }
    %scan3A_8 = arith.constant 32 : i32
    %scan3A_9 = arith.constant 0 : i32
    %scan3A_10 = arith.constant 0 : i32
    %scan3A_11 = arith.constant 640 : i32
    %scan3A_12 = arith.addi %scan3A_10, %scan3A_11 : i32
    %scan3A_13 = arith.constant 1 : i32
    scf.for %scan3A_267 = %scan3A_10 to %scan3A_12 step %scan3A_13  : i32 {
      %mul3A_268 = arith.constant 16 : i32
      %mul3A_269 = arith.muli %scan3A_267, %mul3A_268 : i32
      %swap3A = arith.index_cast %mul3A_269 : i32 to index
      %swap3A_270 = tpu.vector_load %arg15[%swap3A] {strides = array<i32>} : memref<10240xf32, #tpu.memory_space<vmem>>, vector<16xf32>,
      tpu.vector_store %arg15[%swap3A], %broadcast_in_dim3A_1 {strides = array<i32>} : memref<10240xf32, #tpu.memory_space<vmem>>, vector<16xf32>,
    }
    %scan3A_14 = arith.constant 640 : i32
    %mul3A_15 = arith.constant 640 : i32
    %mul3A_16 = arith.muli %arg1, %mul3A_15 : i32
    %mul3A_17 = arith.constant 10000 : i32
    %mul3A_18 = arith.muli %add3A, %mul3A_17 : i32
    %add3A_19 = arith.constant 0 : i32
    %add3A_20 = arith.addi %mul3A_18, %add3A_19 : i32
    %multiple_of3A = tpu.assume_multiple %add3A_20, 8 : i32
    %dma_start3A = tpu.memref_slice %arg3[%multiple_of3A] : memref<640000xi32, #tpu.memory_space<hbm>> -> memref<80xi32, #tpu.memory_space<hbm>>
    %dma_start3A_21 = tpu.memref_slice %arg3[%multiple_of3A] : memref<640000xi32, #tpu.memory_space<hbm>> -> memref<80xi32, #tpu.memory_space<hbm>>
    tpu.enqueue_dma source(%dma_start3A_21 : memref<80xi32, #tpu.memory_space<hbm>>) target(%arg9 : memref<80xi32, #tpu.memory_space<vmem>>) target_semaphore(%arg21 : memref<!tpu.dma_semaphore, #tpu.memory_space<semaphore_mem>>)
    %add3A_22 = arith.constant 320000 : i32
    %add3A_23 = arith.addi %multiple_of3A, %add3A_22 : i32
    %dma_start3A_24 = tpu.memref_slice %arg3[%add3A_23] : memref<640000xi32, #tpu.memory_space<hbm>> -> memref<80xi32, #tpu.memory_space<hbm>>
    %dma_start3A_25 = tpu.memref_slice %arg3[%add3A_23] : memref<640000xi32, #tpu.memory_space<hbm>> -> memref<80xi32, #tpu.memory_space<hbm>>
    tpu.enqueue_dma source(%dma_start3A_25 : memref<80xi32, #tpu.memory_space<hbm>>) target(%arg12 : memref<80xi32, #tpu.memory_space<vmem>>) target_semaphore(%arg21 : memref<!tpu.dma_semaphore, #tpu.memory_space<semaphore_mem>>)
    %mul3A_26 = arith.constant 10000 : i32
    %mul3A_27 = arith.muli %add3A, %mul3A_26 : i32
    %add3A_28 = arith.constant 80 : i32
    %add3A_29 = arith.addi %mul3A_27, %add3A_28 : i32
    %multiple_of3A_30 = tpu.assume_multiple %add3A_29, 8 : i32
    %dma_start3A_31 = tpu.memref_slice %arg3[%multiple_of3A_30] : memref<640000xi32, #tpu.memory_space<hbm>> -> memref<80xi32, #tpu.memory_space<hbm>>
    %dma_start3A_32 = tpu.memref_slice %arg3[%multiple_of3A_30] : memref<640000xi32, #tpu.memory_space<hbm>> -> memref<80xi32, #tpu.memory_space<hbm>>
    tpu.enqueue_dma source(%dma_start3A_32 : memref<80xi32, #tpu.memory_space<hbm>>) target(%arg10 : memref<80xi32, #tpu.memory_space<vmem>>) target_semaphore(%arg22 : memref<!tpu.dma_semaphore, #tpu.memory_space<semaphore_mem>>)
    %add3A_33 = arith.constant 320000 : i32
    %add3A_34 = arith.addi %multiple_of3A_30, %add3A_33 : i32
    %dma_start3A_35 = tpu.memref_slice %arg3[%add3A_34] : memref<640000xi32, #tpu.memory_space<hbm>> -> memref<80xi32, #tpu.memory_space<hbm>>
    %dma_start3A_36 = tpu.memref_slice %arg3[%add3A_34] : memref<640000xi32, #tpu.memory_space<hbm>> -> memref<80xi32, #tpu.memory_space<hbm>>
    tpu.enqueue_dma source(%dma_start3A_36 : memref<80xi32, #tpu.memory_space<hbm>>) target(%arg13 : memref<80xi32, #tpu.memory_space<vmem>>) target_semaphore(%arg22 : memref<!tpu.dma_semaphore, #tpu.memory_space<semaphore_mem>>)
    %dma_wait3A = arith.constant 0 : i32
    %dma_wait3A_37 = tpu.memref_slice %arg3[%dma_wait3A] : memref<640000xi32, #tpu.memory_space<hbm>> -> memref<80xi32, #tpu.memory_space<hbm>>
    %dma_wait3A_38 = arith.constant 0 : i32
    %dma_wait3A_39 = tpu.memref_slice %arg3[%dma_wait3A_38] : memref<640000xi32, #tpu.memory_space<hbm>> -> memref<80xi32, #tpu.memory_space<hbm>>
    tpu.wait_dma2 semaphore(%arg21 : memref<!tpu.dma_semaphore, #tpu.memory_space<semaphore_mem>>) src(%dma_wait3A_39 : memref<80xi32, #tpu.memory_space<hbm>>) dst(%arg9 : memref<80xi32, #tpu.memory_space<vmem>>)
    %dma_wait3A_40 = arith.constant 0 : i32
    %dma_wait3A_41 = tpu.memref_slice %arg3[%dma_wait3A_40] : memref<640000xi32, #tpu.memory_space<hbm>> -> memref<80xi32, #tpu.memory_space<hbm>>
    %dma_wait3A_42 = arith.constant 0 : i32
    %dma_wait3A_43 = tpu.memref_slice %arg3[%dma_wait3A_42] : memref<640000xi32, #tpu.memory_space<hbm>> -> memref<80xi32, #tpu.memory_space<hbm>>
    tpu.wait_dma2 semaphore(%arg21 : memref<!tpu.dma_semaphore, #tpu.memory_space<semaphore_mem>>) src(%dma_wait3A_43 : memref<80xi32, #tpu.memory_space<hbm>>) dst(%arg12 : memref<80xi32, #tpu.memory_space<vmem>>)
    %dma_start3A_44 = arith.constant 0 : i32
    %dma_start3A_45 = arith.constant 0 : i32
    %dma_start3A_46 = tpu.memref_slice %arg2[%dma_start3A_44, %dma_start3A_45] : memref<10000x128xf32, #tpu.memory_space<hbm>> -> memref<10000x128xf32, #tpu.memory_space<hbm>>
    tpu.enqueue_indirect_dma source(%dma_start3A_46 : memref<10000x128xf32, #tpu.memory_space<hbm>>) target(%arg6 : memref<80x128xf32, #tpu.memory_space<vmem>>) offsets(%arg9 : memref<80xi32, #tpu.memory_space<vmem>>) semaphore(%arg18 : memref<!tpu.dma_semaphore, #tpu.memory_space<semaphore_mem>>)
    %mul3A_47 = arith.constant 10000 : i32
    %mul3A_48 = arith.muli %add3A, %mul3A_47 : i32
    %add3A_49 = arith.constant 160 : i32
    %add3A_50 = arith.addi %mul3A_48, %add3A_49 : i32
    %multiple_of3A_51 = tpu.assume_multiple %add3A_50, 8 : i32
    %dma_start3A_52 = tpu.memref_slice %arg3[%multiple_of3A_51] : memref<640000xi32, #tpu.memory_space<hbm>> -> memref<80xi32, #tpu.memory_space<hbm>>
    %dma_start3A_53 = tpu.memref_slice %arg3[%multiple_of3A_51] : memref<640000xi32, #tpu.memory_space<hbm>> -> memref<80xi32, #tpu.memory_space<hbm>>
    tpu.enqueue_dma source(%dma_start3A_53 : memref<80xi32, #tpu.memory_space<hbm>>) target(%arg11 : memref<80xi32, #tpu.memory_space<vmem>>) target_semaphore(%arg23 : memref<!tpu.dma_semaphore, #tpu.memory_space<semaphore_mem>>)
    %add3A_54 = arith.constant 320000 : i32
    %add3A_55 = arith.addi %multiple_of3A_51, %add3A_54 : i32
    %dma_start3A_56 = tpu.memref_slice %arg3[%add3A_55] : memref<640000xi32, #tpu.memory_space<hbm>> -> memref<80xi32, #tpu.memory_space<hbm>>
    %dma_start3A_57 = tpu.memref_slice %arg3[%add3A_55] : memref<640000xi32, #tpu.memory_space<hbm>> -> memref<80xi32, #tpu.memory_space<hbm>>
    tpu.enqueue_dma source(%dma_start3A_57 : memref<80xi32, #tpu.memory_space<hbm>>) target(%arg14 : memref<80xi32, #tpu.memory_space<vmem>>) target_semaphore(%arg23 : memref<!tpu.dma_semaphore, #tpu.memory_space<semaphore_mem>>)
    %dma_wait3A_58 = arith.constant 0 : i32
    %dma_wait3A_59 = tpu.memref_slice %arg3[%dma_wait3A_58] : memref<640000xi32, #tpu.memory_space<hbm>> -> memref<80xi32, #tpu.memory_space<hbm>>
    %dma_wait3A_60 = arith.constant 0 : i32
    %dma_wait3A_61 = tpu.memref_slice %arg3[%dma_wait3A_60] : memref<640000xi32, #tpu.memory_space<hbm>> -> memref<80xi32, #tpu.memory_space<hbm>>
    tpu.wait_dma2 semaphore(%arg22 : memref<!tpu.dma_semaphore, #tpu.memory_space<semaphore_mem>>) src(%dma_wait3A_61 : memref<80xi32, #tpu.memory_space<hbm>>) dst(%arg10 : memref<80xi32, #tpu.memory_space<vmem>>)
    %dma_wait3A_62 = arith.constant 0 : i32
    %dma_wait3A_63 = tpu.memref_slice %arg3[%dma_wait3A_62] : memref<640000xi32, #tpu.memory_space<hbm>> -> memref<80xi32, #tpu.memory_space<hbm>>
    %dma_wait3A_64 = arith.constant 0 : i32
    %dma_wait3A_65 = tpu.memref_slice %arg3[%dma_wait3A_64] : memref<640000xi32, #tpu.memory_space<hbm>> -> memref<80xi32, #tpu.memory_space<hbm>>
    tpu.wait_dma2 semaphore(%arg22 : memref<!tpu.dma_semaphore, #tpu.memory_space<semaphore_mem>>) src(%dma_wait3A_65 : memref<80xi32, #tpu.memory_space<hbm>>) dst(%arg13 : memref<80xi32, #tpu.memory_space<vmem>>)
    %dma_start3A_66 = arith.constant 0 : i32
    %dma_start3A_67 = arith.constant 0 : i32
    %dma_start3A_68 = tpu.memref_slice %arg2[%dma_start3A_66, %dma_start3A_67] : memref<10000x128xf32, #tpu.memory_space<hbm>> -> memref<10000x128xf32, #tpu.memory_space<hbm>>
    tpu.enqueue_indirect_dma source(%dma_start3A_68 : memref<10000x128xf32, #tpu.memory_space<hbm>>) target(%arg7 : memref<80x128xf32, #tpu.memory_space<vmem>>) offsets(%arg10 : memref<80xi32, #tpu.memory_space<vmem>>) semaphore(%arg19 : memref<!tpu.dma_semaphore, #tpu.memory_space<semaphore_mem>>)
    %add3A_69 = arith.constant 0 : i32
    %add3A_70 = arith.addi %mul3A_16, %add3A_69 : i32
    "tpu.region"() ({
      %run_scoped3A = tpu.sem_alloc : memref<!tpu.dma_semaphore, #tpu.memory_space<semaphore_mem>>
      %dma_start3A_267 = arith.constant 0 : i32
      %dma_start3A_268 = tpu.memref_slice %arg17[%add3A_70, %dma_start3A_267] : memref<10240x128xf32, #tpu.memory_space<vmem_shared>> -> memref<32x128xf32, #tpu.memory_space<vmem_shared>>
      %dma_start3A_269 = arith.constant 0 : i32
      %dma_start3A_270 = tpu.memref_slice %arg17[%add3A_70, %dma_start3A_269] : memref<10240x128xf32, #tpu.memory_space<vmem_shared>> -> memref<32x128xf32, #tpu.memory_space<vmem_shared>>
      tpu.enqueue_dma source(%arg16 : memref<32x128xf32, #tpu.memory_space<vmem>>) target(%dma_start3A_270 : memref<32x128xf32, #tpu.memory_space<vmem_shared>>) target_semaphore(%run_scoped3A : memref<!tpu.dma_semaphore, #tpu.memory_space<semaphore_mem>>)
      %dma_wait3A_271 = arith.constant 0 : i32
      %dma_wait3A_272 = tpu.memref_slice %arg17[%add3A_70, %dma_wait3A_271] : memref<10240x128xf32, #tpu.memory_space<vmem_shared>> -> memref<32x128xf32, #tpu.memory_space<vmem_shared>>
      %dma_wait3A_273 = arith.constant 0 : i32
      %dma_wait3A_274 = tpu.memref_slice %arg17[%add3A_70, %dma_wait3A_273] : memref<10240x128xf32, #tpu.memory_space<vmem_shared>> -> memref<32x128xf32, #tpu.memory_space<vmem_shared>>
      tpu.wait_dma2 semaphore(%run_scoped3A : memref<!tpu.dma_semaphore, #tpu.memory_space<semaphore_mem>>) src(%arg16 : memref<32x128xf32, #tpu.memory_space<vmem>>) dst(%dma_wait3A_274 : memref<32x128xf32, #tpu.memory_space<vmem_shared>>)
      tpu.yield
    }) : () -> ()
    %add3A_71 = arith.constant 32 : i32
    %add3A_72 = arith.addi %mul3A_16, %add3A_71 : i32
    "tpu.region"() ({
      %run_scoped3A = tpu.sem_alloc : memref<!tpu.dma_semaphore, #tpu.memory_space<semaphore_mem>>
      %dma_start3A_267 = arith.constant 0 : i32
      %dma_start3A_268 = tpu.memref_slice %arg17[%add3A_72, %dma_start3A_267] : memref<10240x128xf32, #tpu.memory_space<vmem_shared>> -> memref<32x128xf32, #tpu.memory_space<vmem_shared>>
      %dma_start3A_269 = arith.constant 0 : i32
      %dma_start3A_270 = tpu.memref_slice %arg17[%add3A_72, %dma_start3A_269] : memref<10240x128xf32, #tpu.memory_space<vmem_shared>> -> memref<32x128xf32, #tpu.memory_space<vmem_shared>>
      tpu.enqueue_dma source(%arg16 : memref<32x128xf32, #tpu.memory_space<vmem>>) target(%dma_start3A_270 : memref<32x128xf32, #tpu.memory_space<vmem_shared>>) target_semaphore(%run_scoped3A : memref<!tpu.dma_semaphore, #tpu.memory_space<semaphore_mem>>)
      %dma_wait3A_271 = arith.constant 0 : i32
      %dma_wait3A_272 = tpu.memref_slice %arg17[%add3A_72, %dma_wait3A_271] : memref<10240x128xf32, #tpu.memory_space<vmem_shared>> -> memref<32x128xf32, #tpu.memory_space<vmem_shared>>
      %dma_wait3A_273 = arith.constant 0 : i32
      %dma_wait3A_274 = tpu.memref_slice %arg17[%add3A_72, %dma_wait3A_273] : memref<10240x128xf32, #tpu.memory_space<vmem_shared>> -> memref<32x128xf32, #tpu.memory_space<vmem_shared>>
      tpu.wait_dma2 semaphore(%run_scoped3A : memref<!tpu.dma_semaphore, #tpu.memory_space<semaphore_mem>>) src(%arg16 : memref<32x128xf32, #tpu.memory_space<vmem>>) dst(%dma_wait3A_274 : memref<32x128xf32, #tpu.memory_space<vmem_shared>>)
      tpu.yield
    }) : () -> ()
    %add3A_73 = arith.constant 64 : i32
    %add3A_74 = arith.addi %mul3A_16, %add3A_73 : i32
    "tpu.region"() ({
      %run_scoped3A = tpu.sem_alloc : memref<!tpu.dma_semaphore, #tpu.memory_space<semaphore_mem>>
      %dma_start3A_267 = arith.constant 0 : i32
      %dma_start3A_268 = tpu.memref_slice %arg17[%add3A_74, %dma_start3A_267] : memref<10240x128xf32, #tpu.memory_space<vmem_shared>> -> memref<32x128xf32, #tpu.memory_space<vmem_shared>>
      %dma_start3A_269 = arith.constant 0 : i32
      %dma_start3A_270 = tpu.memref_slice %arg17[%add3A_74, %dma_start3A_269] : memref<10240x128xf32, #tpu.memory_space<vmem_shared>> -> memref<32x128xf32, #tpu.memory_space<vmem_shared>>
      tpu.enqueue_dma source(%arg16 : memref<32x128xf32, #tpu.memory_space<vmem>>) target(%dma_start3A_270 : memref<32x128xf32, #tpu.memory_space<vmem_shared>>) target_semaphore(%run_scoped3A : memref<!tpu.dma_semaphore, #tpu.memory_space<semaphore_mem>>)
      %dma_wait3A_271 = arith.constant 0 : i32
      %dma_wait3A_272 = tpu.memref_slice %arg17[%add3A_74, %dma_wait3A_271] : memref<10240x128xf32, #tpu.memory_space<vmem_shared>> -> memref<32x128xf32, #tpu.memory_space<vmem_shared>>
      %dma_wait3A_273 = arith.constant 0 : i32
      %dma_wait3A_274 = tpu.memref_slice %arg17[%add3A_74, %dma_wait3A_273] : memref<10240x128xf32, #tpu.memory_space<vmem_shared>> -> memref<32x128xf32, #tpu.memory_space<vmem_shared>>
      tpu.wait_dma2 semaphore(%run_scoped3A : memref<!tpu.dma_semaphore, #tpu.memory_space<semaphore_mem>>) src(%arg16 : memref<32x128xf32, #tpu.memory_space<vmem>>) dst(%dma_wait3A_274 : memref<32x128xf32, #tpu.memory_space<vmem_shared>>)
      tpu.yield
    }) : () -> ()
    %add3A_75 = arith.constant 96 : i32
    %add3A_76 = arith.addi %mul3A_16, %add3A_75 : i32
    "tpu.region"() ({
      %run_scoped3A = tpu.sem_alloc : memref<!tpu.dma_semaphore, #tpu.memory_space<semaphore_mem>>
      %dma_start3A_267 = arith.constant 0 : i32
      %dma_start3A_268 = tpu.memref_slice %arg17[%add3A_76, %dma_start3A_267] : memref<10240x128xf32, #tpu.memory_space<vmem_shared>> -> memref<32x128xf32, #tpu.memory_space<vmem_shared>>
      %dma_start3A_269 = arith.constant 0 : i32
      %dma_start3A_270 = tpu.memref_slice %arg17[%add3A_76, %dma_start3A_269] : memref<10240x128xf32, #tpu.memory_space<vmem_shared>> -> memref<32x128xf32, #tpu.memory_space<vmem_shared>>
      tpu.enqueue_dma source(%arg16 : memref<32x128xf32, #tpu.memory_space<vmem>>) target(%dma_start3A_270 : memref<32x128xf32, #tpu.memory_space<vmem_shared>>) target_semaphore(%run_scoped3A : memref<!tpu.dma_semaphore, #tpu.memory_space<semaphore_mem>>)
      %dma_wait3A_271 = arith.constant 0 : i32
      %dma_wait3A_272 = tpu.memref_slice %arg17[%add3A_76, %dma_wait3A_271] : memref<10240x128xf32, #tpu.memory_space<vmem_shared>> -> memref<32x128xf32, #tpu.memory_space<vmem_shared>>
      %dma_wait3A_273 = arith.constant 0 : i32
      %dma_wait3A_274 = tpu.memref_slice %arg17[%add3A_76, %dma_wait3A_273] : memref<10240x128xf32, #tpu.memory_space<vmem_shared>> -> memref<32x128xf32, #tpu.memory_space<vmem_shared>>
      tpu.wait_dma2 semaphore(%run_scoped3A : memref<!tpu.dma_semaphore, #tpu.memory_space<semaphore_mem>>) src(%arg16 : memref<32x128xf32, #tpu.memory_space<vmem>>) dst(%dma_wait3A_274 : memref<32x128xf32, #tpu.memory_space<vmem_shared>>)
      tpu.yield
    }) : () -> ()
    %add3A_77 = arith.constant 128 : i32
    %add3A_78 = arith.addi %mul3A_16, %add3A_77 : i32
    "tpu.region"() ({
      %run_scoped3A = tpu.sem_alloc : memref<!tpu.dma_semaphore, #tpu.memory_space<semaphore_mem>>
      %dma_start3A_267 = arith.constant 0 : i32
      %dma_start3A_268 = tpu.memref_slice %arg17[%add3A_78, %dma_start3A_267] : memref<10240x128xf32, #tpu.memory_space<vmem_shared>> -> memref<32x128xf32, #tpu.memory_space<vmem_shared>>
      %dma_start3A_269 = arith.constant 0 : i32
      %dma_start3A_270 = tpu.memref_slice %arg17[%add3A_78, %dma_start3A_269] : memref<10240x128xf32, #tpu.memory_space<vmem_shared>> -> memref<32x128xf32, #tpu.memory_space<vmem_shared>>
      tpu.enqueue_dma source(%arg16 : memref<32x128xf32, #tpu.memory_space<vmem>>) target(%dma_start3A_270 : memref<32x128xf32, #tpu.memory_space<vmem_shared>>) target_semaphore(%run_scoped3A : memref<!tpu.dma_semaphore, #tpu.memory_space<semaphore_mem>>)
      %dma_wait3A_271 = arith.constant 0 : i32
      %dma_wait3A_272 = tpu.memref_slice %arg17[%add3A_78, %dma_wait3A_271] : memref<10240x128xf32, #tpu.memory_space<vmem_shared>> -> memref<32x128xf32, #tpu.memory_space<vmem_shared>>
      %dma_wait3A_273 = arith.constant 0 : i32
      %dma_wait3A_274 = tpu.memref_slice %arg17[%add3A_78, %dma_wait3A_273] : memref<10240x128xf32, #tpu.memory_space<vmem_shared>> -> memref<32x128xf32, #tpu.memory_space<vmem_shared>>
      tpu.wait_dma2 semaphore(%run_scoped3A : memref<!tpu.dma_semaphore, #tpu.memory_space<semaphore_mem>>) src(%arg16 : memref<32x128xf32, #tpu.memory_space<vmem>>) dst(%dma_wait3A_274 : memref<32x128xf32, #tpu.memory_space<vmem_shared>>)
      tpu.yield
    }) : () -> ()
    %add3A_79 = arith.constant 160 : i32
    %add3A_80 = arith.addi %mul3A_16, %add3A_79 : i32
    "tpu.region"() ({
      %run_scoped3A = tpu.sem_alloc : memref<!tpu.dma_semaphore, #tpu.memory_space<semaphore_mem>>
      %dma_start3A_267 = arith.constant 0 : i32
      %dma_start3A_268 = tpu.memref_slice %arg17[%add3A_80, %dma_start3A_267] : memref<10240x128xf32, #tpu.memory_space<vmem_shared>> -> memref<32x128xf32, #tpu.memory_space<vmem_shared>>
      %dma_start3A_269 = arith.constant 0 : i32
      %dma_start3A_270 = tpu.memref_slice %arg17[%add3A_80, %dma_start3A_269] : memref<10240x128xf32, #tpu.memory_space<vmem_shared>> -> memref<32x128xf32, #tpu.memory_space<vmem_shared>>
      tpu.enqueue_dma source(%arg16 : memref<32x128xf32, #tpu.memory_space<vmem>>) target(%dma_start3A_270 : memref<32x128xf32, #tpu.memory_space<vmem_shared>>) target_semaphore(%run_scoped3A : memref<!tpu.dma_semaphore, #tpu.memory_space<semaphore_mem>>)
      %dma_wait3A_271 = arith.constant 0 : i32
      %dma_wait3A_272 = tpu.memref_slice %arg17[%add3A_80, %dma_wait3A_271] : memref<10240x128xf32, #tpu.memory_space<vmem_shared>> -> memref<32x128xf32, #tpu.memory_space<vmem_shared>>
      %dma_wait3A_273 = arith.constant 0 : i32
      %dma_wait3A_274 = tpu.memref_slice %arg17[%add3A_80, %dma_wait3A_273] : memref<10240x128xf32, #tpu.memory_space<vmem_shared>> -> memref<32x128xf32, #tpu.memory_space<vmem_shared>>
      tpu.wait_dma2 semaphore(%run_scoped3A : memref<!tpu.dma_semaphore, #tpu.memory_space<semaphore_mem>>) src(%arg16 : memref<32x128xf32, #tpu.memory_space<vmem>>) dst(%dma_wait3A_274 : memref<32x128xf32, #tpu.memory_space<vmem_shared>>)
      tpu.yield
    }) : () -> ()
    %add3A_81 = arith.constant 192 : i32
    %add3A_82 = arith.addi %mul3A_16, %add3A_81 : i32
    "tpu.region"() ({
      %run_scoped3A = tpu.sem_alloc : memref<!tpu.dma_semaphore, #tpu.memory_space<semaphore_mem>>
      %dma_start3A_267 = arith.constant 0 : i32
      %dma_start3A_268 = tpu.memref_slice %arg17[%add3A_82, %dma_start3A_267] : memref<10240x128xf32, #tpu.memory_space<vmem_shared>> -> memref<32x128xf32, #tpu.memory_space<vmem_shared>>
      %dma_start3A_269 = arith.constant 0 : i32
      %dma_start3A_270 = tpu.memref_slice %arg17[%add3A_82, %dma_start3A_269] : memref<10240x128xf32, #tpu.memory_space<vmem_shared>> -> memref<32x128xf32, #tpu.memory_space<vmem_shared>>
      tpu.enqueue_dma source(%arg16 : memref<32x128xf32, #tpu.memory_space<vmem>>) target(%dma_start3A_270 : memref<32x128xf32, #tpu.memory_space<vmem_shared>>) target_semaphore(%run_scoped3A : memref<!tpu.dma_semaphore, #tpu.memory_space<semaphore_mem>>)
      %dma_wait3A_271 = arith.constant 0 : i32
      %dma_wait3A_272 = tpu.memref_slice %arg17[%add3A_82, %dma_wait3A_271] : memref<10240x128xf32, #tpu.memory_space<vmem_shared>> -> memref<32x128xf32, #tpu.memory_space<vmem_shared>>
      %dma_wait3A_273 = arith.constant 0 : i32
      %dma_wait3A_274 = tpu.memref_slice %arg17[%add3A_82, %dma_wait3A_273] : memref<10240x128xf32, #tpu.memory_space<vmem_shared>> -> memref<32x128xf32, #tpu.memory_space<vmem_shared>>
      tpu.wait_dma2 semaphore(%run_scoped3A : memref<!tpu.dma_semaphore, #tpu.memory_space<semaphore_mem>>) src(%arg16 : memref<32x128xf32, #tpu.memory_space<vmem>>) dst(%dma_wait3A_274 : memref<32x128xf32, #tpu.memory_space<vmem_shared>>)
      tpu.yield
    }) : () -> ()
    %add3A_83 = arith.constant 224 : i32
    %add3A_84 = arith.addi %mul3A_16, %add3A_83 : i32
    "tpu.region"() ({
      %run_scoped3A = tpu.sem_alloc : memref<!tpu.dma_semaphore, #tpu.memory_space<semaphore_mem>>
      %dma_start3A_267 = arith.constant 0 : i32
      %dma_start3A_268 = tpu.memref_slice %arg17[%add3A_84, %dma_start3A_267] : memref<10240x128xf32, #tpu.memory_space<vmem_shared>> -> memref<32x128xf32, #tpu.memory_space<vmem_shared>>
      %dma_start3A_269 = arith.constant 0 : i32
      %dma_start3A_270 = tpu.memref_slice %arg17[%add3A_84, %dma_start3A_269] : memref<10240x128xf32, #tpu.memory_space<vmem_shared>> -> memref<32x128xf32, #tpu.memory_space<vmem_shared>>
      tpu.enqueue_dma source(%arg16 : memref<32x128xf32, #tpu.memory_space<vmem>>) target(%dma_start3A_270 : memref<32x128xf32, #tpu.memory_space<vmem_shared>>) target_semaphore(%run_scoped3A : memref<!tpu.dma_semaphore, #tpu.memory_space<semaphore_mem>>)
      %dma_wait3A_271 = arith.constant 0 : i32
      %dma_wait3A_272 = tpu.memref_slice %arg17[%add3A_84, %dma_wait3A_271] : memref<10240x128xf32, #tpu.memory_space<vmem_shared>> -> memref<32x128xf32, #tpu.memory_space<vmem_shared>>
      %dma_wait3A_273 = arith.constant 0 : i32
      %dma_wait3A_274 = tpu.memref_slice %arg17[%add3A_84, %dma_wait3A_273] : memref<10240x128xf32, #tpu.memory_space<vmem_shared>> -> memref<32x128xf32, #tpu.memory_space<vmem_shared>>
      tpu.wait_dma2 semaphore(%run_scoped3A : memref<!tpu.dma_semaphore, #tpu.memory_space<semaphore_mem>>) src(%arg16 : memref<32x128xf32, #tpu.memory_space<vmem>>) dst(%dma_wait3A_274 : memref<32x128xf32, #tpu.memory_space<vmem_shared>>)
      tpu.yield
    }) : () -> ()
    %add3A_85 = arith.constant 256 : i32
    %add3A_86 = arith.addi %mul3A_16, %add3A_85 : i32
    "tpu.region"() ({
      %run_scoped3A = tpu.sem_alloc : memref<!tpu.dma_semaphore, #tpu.memory_space<semaphore_mem>>
      %dma_start3A_267 = arith.constant 0 : i32
      %dma_start3A_268 = tpu.memref_slice %arg17[%add3A_86, %dma_start3A_267] : memref<10240x128xf32, #tpu.memory_space<vmem_shared>> -> memref<32x128xf32, #tpu.memory_space<vmem_shared>>
      %dma_start3A_269 = arith.constant 0 : i32
      %dma_start3A_270 = tpu.memref_slice %arg17[%add3A_86, %dma_start3A_269] : memref<10240x128xf32, #tpu.memory_space<vmem_shared>> -> memref<32x128xf32, #tpu.memory_space<vmem_shared>>
      tpu.enqueue_dma source(%arg16 : memref<32x128xf32, #tpu.memory_space<vmem>>) target(%dma_start3A_270 : memref<32x128xf32, #tpu.memory_space<vmem_shared>>) target_semaphore(%run_scoped3A : memref<!tpu.dma_semaphore, #tpu.memory_space<semaphore_mem>>)
      %dma_wait3A_271 = arith.constant 0 : i32
      %dma_wait3A_272 = tpu.memref_slice %arg17[%add3A_86, %dma_wait3A_271] : memref<10240x128xf32, #tpu.memory_space<vmem_shared>> -> memref<32x128xf32, #tpu.memory_space<vmem_shared>>
      %dma_wait3A_273 = arith.constant 0 : i32
      %dma_wait3A_274 = tpu.memref_slice %arg17[%add3A_86, %dma_wait3A_273] : memref<10240x128xf32, #tpu.memory_space<vmem_shared>> -> memref<32x128xf32, #tpu.memory_space<vmem_shared>>
      tpu.wait_dma2 semaphore(%run_scoped3A : memref<!tpu.dma_semaphore, #tpu.memory_space<semaphore_mem>>) src(%arg16 : memref<32x128xf32, #tpu.memory_space<vmem>>) dst(%dma_wait3A_274 : memref<32x128xf32, #tpu.memory_space<vmem_shared>>)
      tpu.yield
    }) : () -> ()
    %add3A_87 = arith.constant 288 : i32
    %add3A_88 = arith.addi %mul3A_16, %add3A_87 : i32
    "tpu.region"() ({
      %run_scoped3A = tpu.sem_alloc : memref<!tpu.dma_semaphore, #tpu.memory_space<semaphore_mem>>
      %dma_start3A_267 = arith.constant 0 : i32
      %dma_start3A_268 = tpu.memref_slice %arg17[%add3A_88, %dma_start3A_267] : memref<10240x128xf32, #tpu.memory_space<vmem_shared>> -> memref<32x128xf32, #tpu.memory_space<vmem_shared>>
      %dma_start3A_269 = arith.constant 0 : i32
      %dma_start3A_270 = tpu.memref_slice %arg17[%add3A_88, %dma_start3A_269] : memref<10240x128xf32, #tpu.memory_space<vmem_shared>> -> memref<32x128xf32, #tpu.memory_space<vmem_shared>>
      tpu.enqueue_dma source(%arg16 : memref<32x128xf32, #tpu.memory_space<vmem>>) target(%dma_start3A_270 : memref<32x128xf32, #tpu.memory_space<vmem_shared>>) target_semaphore(%run_scoped3A : memref<!tpu.dma_semaphore, #tpu.memory_space<semaphore_mem>>)
      %dma_wait3A_271 = arith.constant 0 : i32
      %dma_wait3A_272 = tpu.memref_slice %arg17[%add3A_88, %dma_wait3A_271] : memref<10240x128xf32, #tpu.memory_space<vmem_shared>> -> memref<32x128xf32, #tpu.memory_space<vmem_shared>>
      %dma_wait3A_273 = arith.constant 0 : i32
      %dma_wait3A_274 = tpu.memref_slice %arg17[%add3A_88, %dma_wait3A_273] : memref<10240x128xf32, #tpu.memory_space<vmem_shared>> -> memref<32x128xf32, #tpu.memory_space<vmem_shared>>
      tpu.wait_dma2 semaphore(%run_scoped3A : memref<!tpu.dma_semaphore, #tpu.memory_space<semaphore_mem>>) src(%arg16 : memref<32x128xf32, #tpu.memory_space<vmem>>) dst(%dma_wait3A_274 : memref<32x128xf32, #tpu.memory_space<vmem_shared>>)
      tpu.yield
    }) : () -> ()
    %add3A_89 = arith.constant 320 : i32
    %add3A_90 = arith.addi %mul3A_16, %add3A_89 : i32
    "tpu.region"() ({
      %run_scoped3A = tpu.sem_alloc : memref<!tpu.dma_semaphore, #tpu.memory_space<semaphore_mem>>
      %dma_start3A_267 = arith.constant 0 : i32
      %dma_start3A_268 = tpu.memref_slice %arg17[%add3A_90, %dma_start3A_267] : memref<10240x128xf32, #tpu.memory_space<vmem_shared>> -> memref<32x128xf32, #tpu.memory_space<vmem_shared>>
      %dma_start3A_269 = arith.constant 0 : i32
      %dma_start3A_270 = tpu.memref_slice %arg17[%add3A_90, %dma_start3A_269] : memref<10240x128xf32, #tpu.memory_space<vmem_shared>> -> memref<32x128xf32, #tpu.memory_space<vmem_shared>>
      tpu.enqueue_dma source(%arg16 : memref<32x128xf32, #tpu.memory_space<vmem>>) target(%dma_start3A_270 : memref<32x128xf32, #tpu.memory_space<vmem_shared>>) target_semaphore(%run_scoped3A : memref<!tpu.dma_semaphore, #tpu.memory_space<semaphore_mem>>)
      %dma_wait3A_271 = arith.constant 0 : i32
      %dma_wait3A_272 = tpu.memref_slice %arg17[%add3A_90, %dma_wait3A_271] : memref<10240x128xf32, #tpu.memory_space<vmem_shared>> -> memref<32x128xf32, #tpu.memory_space<vmem_shared>>
      %dma_wait3A_273 = arith.constant 0 : i32
      %dma_wait3A_274 = tpu.memref_slice %arg17[%add3A_90, %dma_wait3A_273] : memref<10240x128xf32, #tpu.memory_space<vmem_shared>> -> memref<32x128xf32, #tpu.memory_space<vmem_shared>>
      tpu.wait_dma2 semaphore(%run_scoped3A : memref<!tpu.dma_semaphore, #tpu.memory_space<semaphore_mem>>) src(%arg16 : memref<32x128xf32, #tpu.memory_space<vmem>>) dst(%dma_wait3A_274 : memref<32x128xf32, #tpu.memory_space<vmem_shared>>)
      tpu.yield
    }) : () -> ()
    %add3A_91 = arith.constant 352 : i32
    %add3A_92 = arith.addi %mul3A_16, %add3A_91 : i32
    "tpu.region"() ({
      %run_scoped3A = tpu.sem_alloc : memref<!tpu.dma_semaphore, #tpu.memory_space<semaphore_mem>>
      %dma_start3A_267 = arith.constant 0 : i32
      %dma_start3A_268 = tpu.memref_slice %arg17[%add3A_92, %dma_start3A_267] : memref<10240x128xf32, #tpu.memory_space<vmem_shared>> -> memref<32x128xf32, #tpu.memory_space<vmem_shared>>
      %dma_start3A_269 = arith.constant 0 : i32
      %dma_start3A_270 = tpu.memref_slice %arg17[%add3A_92, %dma_start3A_269] : memref<10240x128xf32, #tpu.memory_space<vmem_shared>> -> memref<32x128xf32, #tpu.memory_space<vmem_shared>>
      tpu.enqueue_dma source(%arg16 : memref<32x128xf32, #tpu.memory_space<vmem>>) target(%dma_start3A_270 : memref<32x128xf32, #tpu.memory_space<vmem_shared>>) target_semaphore(%run_scoped3A : memref<!tpu.dma_semaphore, #tpu.memory_space<semaphore_mem>>)
      %dma_wait3A_271 = arith.constant 0 : i32
      %dma_wait3A_272 = tpu.memref_slice %arg17[%add3A_92, %dma_wait3A_271] : memref<10240x128xf32, #tpu.memory_space<vmem_shared>> -> memref<32x128xf32, #tpu.memory_space<vmem_shared>>
      %dma_wait3A_273 = arith.constant 0 : i32
      %dma_wait3A_274 = tpu.memref_slice %arg17[%add3A_92, %dma_wait3A_273] : memref<10240x128xf32, #tpu.memory_space<vmem_shared>> -> memref<32x128xf32, #tpu.memory_space<vmem_shared>>
      tpu.wait_dma2 semaphore(%run_scoped3A : memref<!tpu.dma_semaphore, #tpu.memory_space<semaphore_mem>>) src(%arg16 : memref<32x128xf32, #tpu.memory_space<vmem>>) dst(%dma_wait3A_274 : memref<32x128xf32, #tpu.memory_space<vmem_shared>>)
      tpu.yield
    }) : () -> ()
    %add3A_93 = arith.constant 384 : i32
    %add3A_94 = arith.addi %mul3A_16, %add3A_93 : i32
    "tpu.region"() ({
      %run_scoped3A = tpu.sem_alloc : memref<!tpu.dma_semaphore, #tpu.memory_space<semaphore_mem>>
      %dma_start3A_267 = arith.constant 0 : i32
      %dma_start3A_268 = tpu.memref_slice %arg17[%add3A_94, %dma_start3A_267] : memref<10240x128xf32, #tpu.memory_space<vmem_shared>> -> memref<32x128xf32, #tpu.memory_space<vmem_shared>>
      %dma_start3A_269 = arith.constant 0 : i32
      %dma_start3A_270 = tpu.memref_slice %arg17[%add3A_94, %dma_start3A_269] : memref<10240x128xf32, #tpu.memory_space<vmem_shared>> -> memref<32x128xf32, #tpu.memory_space<vmem_shared>>
      tpu.enqueue_dma source(%arg16 : memref<32x128xf32, #tpu.memory_space<vmem>>) target(%dma_start3A_270 : memref<32x128xf32, #tpu.memory_space<vmem_shared>>) target_semaphore(%run_scoped3A : memref<!tpu.dma_semaphore, #tpu.memory_space<semaphore_mem>>)
      %dma_wait3A_271 = arith.constant 0 : i32
      %dma_wait3A_272 = tpu.memref_slice %arg17[%add3A_94, %dma_wait3A_271] : memref<10240x128xf32, #tpu.memory_space<vmem_shared>> -> memref<32x128xf32, #tpu.memory_space<vmem_shared>>
      %dma_wait3A_273 = arith.constant 0 : i32
      %dma_wait3A_274 = tpu.memref_slice %arg17[%add3A_94, %dma_wait3A_273] : memref<10240x128xf32, #tpu.memory_space<vmem_shared>> -> memref<32x128xf32, #tpu.memory_space<vmem_shared>>
      tpu.wait_dma2 semaphore(%run_scoped3A : memref<!tpu.dma_semaphore, #tpu.memory_space<semaphore_mem>>) src(%arg16 : memref<32x128xf32, #tpu.memory_space<vmem>>) dst(%dma_wait3A_274 : memref<32x128xf32, #tpu.memory_space<vmem_shared>>)
      tpu.yield
    }) : () -> ()
    %add3A_95 = arith.constant 416 : i32
    %add3A_96 = arith.addi %mul3A_16, %add3A_95 : i32
    "tpu.region"() ({
      %run_scoped3A = tpu.sem_alloc : memref<!tpu.dma_semaphore, #tpu.memory_space<semaphore_mem>>
      %dma_start3A_267 = arith.constant 0 : i32
      %dma_start3A_268 = tpu.memref_slice %arg17[%add3A_96, %dma_start3A_267] : memref<10240x128xf32, #tpu.memory_space<vmem_shared>> -> memref<32x128xf32, #tpu.memory_space<vmem_shared>>
      %dma_start3A_269 = arith.constant 0 : i32
      %dma_start3A_270 = tpu.memref_slice %arg17[%add3A_96, %dma_start3A_269] : memref<10240x128xf32, #tpu.memory_space<vmem_shared>> -> memref<32x128xf32, #tpu.memory_space<vmem_shared>>
      tpu.enqueue_dma source(%arg16 : memref<32x128xf32, #tpu.memory_space<vmem>>) target(%dma_start3A_270 : memref<32x128xf32, #tpu.memory_space<vmem_shared>>) target_semaphore(%run_scoped3A : memref<!tpu.dma_semaphore, #tpu.memory_space<semaphore_mem>>)
      %dma_wait3A_271 = arith.constant 0 : i32
      %dma_wait3A_272 = tpu.memref_slice %arg17[%add3A_96, %dma_wait3A_271] : memref<10240x128xf32, #tpu.memory_space<vmem_shared>> -> memref<32x128xf32, #tpu.memory_space<vmem_shared>>
      %dma_wait3A_273 = arith.constant 0 : i32
      %dma_wait3A_274 = tpu.memref_slice %arg17[%add3A_96, %dma_wait3A_273] : memref<10240x128xf32, #tpu.memory_space<vmem_shared>> -> memref<32x128xf32, #tpu.memory_space<vmem_shared>>
      tpu.wait_dma2 semaphore(%run_scoped3A : memref<!tpu.dma_semaphore, #tpu.memory_space<semaphore_mem>>) src(%arg16 : memref<32x128xf32, #tpu.memory_space<vmem>>) dst(%dma_wait3A_274 : memref<32x128xf32, #tpu.memory_space<vmem_shared>>)
      tpu.yield
    }) : () -> ()
    %add3A_97 = arith.constant 448 : i32
    %add3A_98 = arith.addi %mul3A_16, %add3A_97 : i32
    "tpu.region"() ({
      %run_scoped3A = tpu.sem_alloc : memref<!tpu.dma_semaphore, #tpu.memory_space<semaphore_mem>>
      %dma_start3A_267 = arith.constant 0 : i32
      %dma_start3A_268 = tpu.memref_slice %arg17[%add3A_98, %dma_start3A_267] : memref<10240x128xf32, #tpu.memory_space<vmem_shared>> -> memref<32x128xf32, #tpu.memory_space<vmem_shared>>
      %dma_start3A_269 = arith.constant 0 : i32
      %dma_start3A_270 = tpu.memref_slice %arg17[%add3A_98, %dma_start3A_269] : memref<10240x128xf32, #tpu.memory_space<vmem_shared>> -> memref<32x128xf32, #tpu.memory_space<vmem_shared>>
      tpu.enqueue_dma source(%arg16 : memref<32x128xf32, #tpu.memory_space<vmem>>) target(%dma_start3A_270 : memref<32x128xf32, #tpu.memory_space<vmem_shared>>) target_semaphore(%run_scoped3A : memref<!tpu.dma_semaphore, #tpu.memory_space<semaphore_mem>>)
      %dma_wait3A_271 = arith.constant 0 : i32
      %dma_wait3A_272 = tpu.memref_slice %arg17[%add3A_98, %dma_wait3A_271] : memref<10240x128xf32, #tpu.memory_space<vmem_shared>> -> memref<32x128xf32, #tpu.memory_space<vmem_shared>>
      %dma_wait3A_273 = arith.constant 0 : i32
      %dma_wait3A_274 = tpu.memref_slice %arg17[%add3A_98, %dma_wait3A_273] : memref<10240x128xf32, #tpu.memory_space<vmem_shared>> -> memref<32x128xf32, #tpu.memory_space<vmem_shared>>
      tpu.wait_dma2 semaphore(%run_scoped3A : memref<!tpu.dma_semaphore, #tpu.memory_space<semaphore_mem>>) src(%arg16 : memref<32x128xf32, #tpu.memory_space<vmem>>) dst(%dma_wait3A_274 : memref<32x128xf32, #tpu.memory_space<vmem_shared>>)
      tpu.yield
    }) : () -> ()
    %add3A_99 = arith.constant 480 : i32
    %add3A_100 = arith.addi %mul3A_16, %add3A_99 : i32
    "tpu.region"() ({
      %run_scoped3A = tpu.sem_alloc : memref<!tpu.dma_semaphore, #tpu.memory_space<semaphore_mem>>
      %dma_start3A_267 = arith.constant 0 : i32
      %dma_start3A_268 = tpu.memref_slice %arg17[%add3A_100, %dma_start3A_267] : memref<10240x128xf32, #tpu.memory_space<vmem_shared>> -> memref<32x128xf32, #tpu.memory_space<vmem_shared>>
      %dma_start3A_269 = arith.constant 0 : i32
      %dma_start3A_270 = tpu.memref_slice %arg17[%add3A_100, %dma_start3A_269] : memref<10240x128xf32, #tpu.memory_space<vmem_shared>> -> memref<32x128xf32, #tpu.memory_space<vmem_shared>>
      tpu.enqueue_dma source(%arg16 : memref<32x128xf32, #tpu.memory_space<vmem>>) target(%dma_start3A_270 : memref<32x128xf32, #tpu.memory_space<vmem_shared>>) target_semaphore(%run_scoped3A : memref<!tpu.dma_semaphore, #tpu.memory_space<semaphore_mem>>)
      %dma_wait3A_271 = arith.constant 0 : i32
      %dma_wait3A_272 = tpu.memref_slice %arg17[%add3A_100, %dma_wait3A_271] : memref<10240x128xf32, #tpu.memory_space<vmem_shared>> -> memref<32x128xf32, #tpu.memory_space<vmem_shared>>
      %dma_wait3A_273 = arith.constant 0 : i32
      %dma_wait3A_274 = tpu.memref_slice %arg17[%add3A_100, %dma_wait3A_273] : memref<10240x128xf32, #tpu.memory_space<vmem_shared>> -> memref<32x128xf32, #tpu.memory_space<vmem_shared>>
      tpu.wait_dma2 semaphore(%run_scoped3A : memref<!tpu.dma_semaphore, #tpu.memory_space<semaphore_mem>>) src(%arg16 : memref<32x128xf32, #tpu.memory_space<vmem>>) dst(%dma_wait3A_274 : memref<32x128xf32, #tpu.memory_space<vmem_shared>>)
      tpu.yield
    }) : () -> ()
    %add3A_101 = arith.constant 512 : i32
    %add3A_102 = arith.addi %mul3A_16, %add3A_101 : i32
    "tpu.region"() ({
      %run_scoped3A = tpu.sem_alloc : memref<!tpu.dma_semaphore, #tpu.memory_space<semaphore_mem>>
      %dma_start3A_267 = arith.constant 0 : i32
      %dma_start3A_268 = tpu.memref_slice %arg17[%add3A_102, %dma_start3A_267] : memref<10240x128xf32, #tpu.memory_space<vmem_shared>> -> memref<32x128xf32, #tpu.memory_space<vmem_shared>>
      %dma_start3A_269 = arith.constant 0 : i32
      %dma_start3A_270 = tpu.memref_slice %arg17[%add3A_102, %dma_start3A_269] : memref<10240x128xf32, #tpu.memory_space<vmem_shared>> -> memref<32x128xf32, #tpu.memory_space<vmem_shared>>
      tpu.enqueue_dma source(%arg16 : memref<32x128xf32, #tpu.memory_space<vmem>>) target(%dma_start3A_270 : memref<32x128xf32, #tpu.memory_space<vmem_shared>>) target_semaphore(%run_scoped3A : memref<!tpu.dma_semaphore, #tpu.memory_space<semaphore_mem>>)
      %dma_wait3A_271 = arith.constant 0 : i32
      %dma_wait3A_272 = tpu.memref_slice %arg17[%add3A_102, %dma_wait3A_271] : memref<10240x128xf32, #tpu.memory_space<vmem_shared>> -> memref<32x128xf32, #tpu.memory_space<vmem_shared>>
      %dma_wait3A_273 = arith.constant 0 : i32
      %dma_wait3A_274 = tpu.memref_slice %arg17[%add3A_102, %dma_wait3A_273] : memref<10240x128xf32, #tpu.memory_space<vmem_shared>> -> memref<32x128xf32, #tpu.memory_space<vmem_shared>>
      tpu.wait_dma2 semaphore(%run_scoped3A : memref<!tpu.dma_semaphore, #tpu.memory_space<semaphore_mem>>) src(%arg16 : memref<32x128xf32, #tpu.memory_space<vmem>>) dst(%dma_wait3A_274 : memref<32x128xf32, #tpu.memory_space<vmem_shared>>)
      tpu.yield
    }) : () -> ()
    %add3A_103 = arith.constant 544 : i32
    %add3A_104 = arith.addi %mul3A_16, %add3A_103 : i32
    "tpu.region"() ({
      %run_scoped3A = tpu.sem_alloc : memref<!tpu.dma_semaphore, #tpu.memory_space<semaphore_mem>>
      %dma_start3A_267 = arith.constant 0 : i32
      %dma_start3A_268 = tpu.memref_slice %arg17[%add3A_104, %dma_start3A_267] : memref<10240x128xf32, #tpu.memory_space<vmem_shared>> -> memref<32x128xf32, #tpu.memory_space<vmem_shared>>
      %dma_start3A_269 = arith.constant 0 : i32
      %dma_start3A_270 = tpu.memref_slice %arg17[%add3A_104, %dma_start3A_269] : memref<10240x128xf32, #tpu.memory_space<vmem_shared>> -> memref<32x128xf32, #tpu.memory_space<vmem_shared>>
      tpu.enqueue_dma source(%arg16 : memref<32x128xf32, #tpu.memory_space<vmem>>) target(%dma_start3A_270 : memref<32x128xf32, #tpu.memory_space<vmem_shared>>) target_semaphore(%run_scoped3A : memref<!tpu.dma_semaphore, #tpu.memory_space<semaphore_mem>>)
      %dma_wait3A_271 = arith.constant 0 : i32
      %dma_wait3A_272 = tpu.memref_slice %arg17[%add3A_104, %dma_wait3A_271] : memref<10240x128xf32, #tpu.memory_space<vmem_shared>> -> memref<32x128xf32, #tpu.memory_space<vmem_shared>>
      %dma_wait3A_273 = arith.constant 0 : i32
      %dma_wait3A_274 = tpu.memref_slice %arg17[%add3A_104, %dma_wait3A_273] : memref<10240x128xf32, #tpu.memory_space<vmem_shared>> -> memref<32x128xf32, #tpu.memory_space<vmem_shared>>
      tpu.wait_dma2 semaphore(%run_scoped3A : memref<!tpu.dma_semaphore, #tpu.memory_space<semaphore_mem>>) src(%arg16 : memref<32x128xf32, #tpu.memory_space<vmem>>) dst(%dma_wait3A_274 : memref<32x128xf32, #tpu.memory_space<vmem_shared>>)
      tpu.yield
    }) : () -> ()
    %add3A_105 = arith.constant 576 : i32
    %add3A_106 = arith.addi %mul3A_16, %add3A_105 : i32
    "tpu.region"() ({
      %run_scoped3A = tpu.sem_alloc : memref<!tpu.dma_semaphore, #tpu.memory_space<semaphore_mem>>
      %dma_start3A_267 = arith.constant 0 : i32
      %dma_start3A_268 = tpu.memref_slice %arg17[%add3A_106, %dma_start3A_267] : memref<10240x128xf32, #tpu.memory_space<vmem_shared>> -> memref<32x128xf32, #tpu.memory_space<vmem_shared>>
      %dma_start3A_269 = arith.constant 0 : i32
      %dma_start3A_270 = tpu.memref_slice %arg17[%add3A_106, %dma_start3A_269] : memref<10240x128xf32, #tpu.memory_space<vmem_shared>> -> memref<32x128xf32, #tpu.memory_space<vmem_shared>>
      tpu.enqueue_dma source(%arg16 : memref<32x128xf32, #tpu.memory_space<vmem>>) target(%dma_start3A_270 : memref<32x128xf32, #tpu.memory_space<vmem_shared>>) target_semaphore(%run_scoped3A : memref<!tpu.dma_semaphore, #tpu.memory_space<semaphore_mem>>)
      %dma_wait3A_271 = arith.constant 0 : i32
      %dma_wait3A_272 = tpu.memref_slice %arg17[%add3A_106, %dma_wait3A_271] : memref<10240x128xf32, #tpu.memory_space<vmem_shared>> -> memref<32x128xf32, #tpu.memory_space<vmem_shared>>
      %dma_wait3A_273 = arith.constant 0 : i32
      %dma_wait3A_274 = tpu.memref_slice %arg17[%add3A_106, %dma_wait3A_273] : memref<10240x128xf32, #tpu.memory_space<vmem_shared>> -> memref<32x128xf32, #tpu.memory_space<vmem_shared>>
      tpu.wait_dma2 semaphore(%run_scoped3A : memref<!tpu.dma_semaphore, #tpu.memory_space<semaphore_mem>>) src(%arg16 : memref<32x128xf32, #tpu.memory_space<vmem>>) dst(%dma_wait3A_274 : memref<32x128xf32, #tpu.memory_space<vmem_shared>>)
      tpu.yield
    }) : () -> ()
    %add3A_107 = arith.constant 608 : i32
    %add3A_108 = arith.addi %mul3A_16, %add3A_107 : i32
    "tpu.region"() ({
      %run_scoped3A = tpu.sem_alloc : memref<!tpu.dma_semaphore, #tpu.memory_space<semaphore_mem>>
      %dma_start3A_267 = arith.constant 0 : i32
      %dma_start3A_268 = tpu.memref_slice %arg17[%add3A_108, %dma_start3A_267] : memref<10240x128xf32, #tpu.memory_space<vmem_shared>> -> memref<32x128xf32, #tpu.memory_space<vmem_shared>>
      %dma_start3A_269 = arith.constant 0 : i32
      %dma_start3A_270 = tpu.memref_slice %arg17[%add3A_108, %dma_start3A_269] : memref<10240x128xf32, #tpu.memory_space<vmem_shared>> -> memref<32x128xf32, #tpu.memory_space<vmem_shared>>
      tpu.enqueue_dma source(%arg16 : memref<32x128xf32, #tpu.memory_space<vmem>>) target(%dma_start3A_270 : memref<32x128xf32, #tpu.memory_space<vmem_shared>>) target_semaphore(%run_scoped3A : memref<!tpu.dma_semaphore, #tpu.memory_space<semaphore_mem>>)
      %dma_wait3A_271 = arith.constant 0 : i32
      %dma_wait3A_272 = tpu.memref_slice %arg17[%add3A_108, %dma_wait3A_271] : memref<10240x128xf32, #tpu.memory_space<vmem_shared>> -> memref<32x128xf32, #tpu.memory_space<vmem_shared>>
      %dma_wait3A_273 = arith.constant 0 : i32
      %dma_wait3A_274 = tpu.memref_slice %arg17[%add3A_108, %dma_wait3A_273] : memref<10240x128xf32, #tpu.memory_space<vmem_shared>> -> memref<32x128xf32, #tpu.memory_space<vmem_shared>>
      tpu.wait_dma2 semaphore(%run_scoped3A : memref<!tpu.dma_semaphore, #tpu.memory_space<semaphore_mem>>) src(%arg16 : memref<32x128xf32, #tpu.memory_space<vmem>>) dst(%dma_wait3A_274 : memref<32x128xf32, #tpu.memory_space<vmem_shared>>)
      tpu.yield
    }) : () -> ()
    %barrier3A = arith.constant 0 : index
    tpu.barrier barrier_id(%barrier3A)
    %dma_wait3A_109 = arith.constant 0 : i32
    %dma_wait3A_110 = arith.constant 0 : i32
    %dma_wait3A_111 = tpu.memref_slice %arg2[%dma_wait3A_109, %dma_wait3A_110] : memref<10000x128xf32, #tpu.memory_space<hbm>> -> memref<10000x128xf32, #tpu.memory_space<hbm>>
    tpu.wait_indirect_dma semaphore(%arg18 : memref<!tpu.dma_semaphore, #tpu.memory_space<semaphore_mem>>) src(%dma_wait3A_111 : memref<10000x128xf32, #tpu.memory_space<hbm>>) dst(%arg6 : memref<80x128xf32, #tpu.memory_space<vmem>>)
    %dma_start3A_112 = arith.constant 0 : i32
    %dma_start3A_113 = arith.constant 0 : i32
    %dma_start3A_114 = tpu.memref_slice %arg17[%dma_start3A_112, %dma_start3A_113] : memref<10240x128xf32, #tpu.memory_space<vmem_shared>> -> memref<10240x128xf32, #tpu.memory_space<vmem_shared>>
    tpu.enqueue_indirect_dma source(%arg6 : memref<80x128xf32, #tpu.memory_space<vmem>>) target(%dma_start3A_114 : memref<10240x128xf32, #tpu.memory_space<vmem_shared>>) offsets(%arg12 : memref<80xi32, #tpu.memory_space<vmem>>) semaphore(%arg24 : memref<!tpu.dma_semaphore, #tpu.memory_space<semaphore_mem>>) {add = true}
    %get3A = arith.constant 0 : index
    %get3A_115 = tpu.vector_load %arg12[%get3A] {strides = array<i32>} : memref<80xi32, #tpu.memory_space<vmem>>, vector<16xi32>,
    tpu.vector_store_idx %arg15[%get3A_115], %broadcast_in_dim3A_3 {add = true} : memref<10240xf32, #tpu.memory_space<vmem>>[vector<16xi32>], vector<16xf32>,
    %get3A_116 = arith.constant 16 : index
    %get3A_117 = tpu.vector_load %arg12[%get3A_116] {strides = array<i32>} : memref<80xi32, #tpu.memory_space<vmem>>, vector<16xi32>,
    tpu.vector_store_idx %arg15[%get3A_117], %broadcast_in_dim3A_3 {add = true} : memref<10240xf32, #tpu.memory_space<vmem>>[vector<16xi32>], vector<16xf32>,
    %get3A_118 = arith.constant 32 : index
    %get3A_119 = tpu.vector_load %arg12[%get3A_118] {strides = array<i32>} : memref<80xi32, #tpu.memory_space<vmem>>, vector<16xi32>,
    tpu.vector_store_idx %arg15[%get3A_119], %broadcast_in_dim3A_3 {add = true} : memref<10240xf32, #tpu.memory_space<vmem>>[vector<16xi32>], vector<16xf32>,
    %get3A_120 = arith.constant 48 : index
    %get3A_121 = tpu.vector_load %arg12[%get3A_120] {strides = array<i32>} : memref<80xi32, #tpu.memory_space<vmem>>, vector<16xi32>,
    tpu.vector_store_idx %arg15[%get3A_121], %broadcast_in_dim3A_3 {add = true} : memref<10240xf32, #tpu.memory_space<vmem>>[vector<16xi32>], vector<16xf32>,
    %get3A_122 = arith.constant 64 : index
    %get3A_123 = tpu.vector_load %arg12[%get3A_122] {strides = array<i32>} : memref<80xi32, #tpu.memory_space<vmem>>, vector<16xi32>,
    tpu.vector_store_idx %arg15[%get3A_123], %broadcast_in_dim3A_3 {add = true} : memref<10240xf32, #tpu.memory_space<vmem>>[vector<16xi32>], vector<16xf32>,
    %scan3A_124 = arith.constant 0 : i32
    %scan3A_125 = arith.constant 0 : i32
    %scan3A_126 = arith.constant 40 : i32
    %scan3A_127 = arith.addi %scan3A_125, %scan3A_126 : i32
    %scan3A_128 = arith.constant 1 : i32
    scf.for %scan3A_267 = %scan3A_125 to %scan3A_127 step %scan3A_128  : i32 {
      %mul3A_268 = arith.constant 3 : i32
      %mul3A_269 = arith.muli %mul3A_268, %scan3A_267 : i32
      %add3A_270 = arith.constant 3 : i32
      %add3A_271 = arith.addi %add3A_270, %mul3A_269 : i32
      %dma_wait3A_272 = arith.constant 0 : i32
      %dma_wait3A_273 = arith.constant 0 : i32
      %dma_wait3A_274 = tpu.memref_slice %arg17[%dma_wait3A_272, %dma_wait3A_273] : memref<10240x128xf32, #tpu.memory_space<vmem_shared>> -> memref<10240x128xf32, #tpu.memory_space<vmem_shared>>
      tpu.wait_indirect_dma semaphore(%arg24 : memref<!tpu.dma_semaphore, #tpu.memory_space<semaphore_mem>>) src(%arg6 : memref<80x128xf32, #tpu.memory_space<vmem>>) dst(%dma_wait3A_274 : memref<10240x128xf32, #tpu.memory_space<vmem_shared>>)
      %mul3A_275 = arith.constant 10000 : i32
      %mul3A_276 = arith.muli %add3A, %mul3A_275 : i32
      %mul3A_277 = arith.constant 80 : i32
      %mul3A_278 = arith.muli %add3A_271, %mul3A_277 : i32
      %add3A_279 = arith.addi %mul3A_276, %mul3A_278 : i32
      %multiple_of3A_280 = tpu.assume_multiple %add3A_279, 8 : i32
      %dma_start3A_281 = tpu.memref_slice %arg3[%multiple_of3A_280] : memref<640000xi32, #tpu.memory_space<hbm>> -> memref<80xi32, #tpu.memory_space<hbm>>
      %dma_start3A_282 = tpu.memref_slice %arg3[%multiple_of3A_280] : memref<640000xi32, #tpu.memory_space<hbm>> -> memref<80xi32, #tpu.memory_space<hbm>>
      tpu.enqueue_dma source(%dma_start3A_282 : memref<80xi32, #tpu.memory_space<hbm>>) target(%arg9 : memref<80xi32, #tpu.memory_space<vmem>>) target_semaphore(%arg21 : memref<!tpu.dma_semaphore, #tpu.memory_space<semaphore_mem>>)
      %add3A_283 = arith.constant 320000 : i32
      %add3A_284 = arith.addi %multiple_of3A_280, %add3A_283 : i32
      %dma_start3A_285 = tpu.memref_slice %arg3[%add3A_284] : memref<640000xi32, #tpu.memory_space<hbm>> -> memref<80xi32, #tpu.memory_space<hbm>>
      %dma_start3A_286 = tpu.memref_slice %arg3[%add3A_284] : memref<640000xi32, #tpu.memory_space<hbm>> -> memref<80xi32, #tpu.memory_space<hbm>>
      tpu.enqueue_dma source(%dma_start3A_286 : memref<80xi32, #tpu.memory_space<hbm>>) target(%arg12 : memref<80xi32, #tpu.memory_space<vmem>>) target_semaphore(%arg21 : memref<!tpu.dma_semaphore, #tpu.memory_space<semaphore_mem>>)
      %dma_wait3A_287 = arith.constant 0 : i32
      %dma_wait3A_288 = tpu.memref_slice %arg3[%dma_wait3A_287] : memref<640000xi32, #tpu.memory_space<hbm>> -> memref<80xi32, #tpu.memory_space<hbm>>
      %dma_wait3A_289 = arith.constant 0 : i32
      %dma_wait3A_290 = tpu.memref_slice %arg3[%dma_wait3A_289] : memref<640000xi32, #tpu.memory_space<hbm>> -> memref<80xi32, #tpu.memory_space<hbm>>
      tpu.wait_dma2 semaphore(%arg23 : memref<!tpu.dma_semaphore, #tpu.memory_space<semaphore_mem>>) src(%dma_wait3A_290 : memref<80xi32, #tpu.memory_space<hbm>>) dst(%arg11 : memref<80xi32, #tpu.memory_space<vmem>>)
      %dma_wait3A_291 = arith.constant 0 : i32
      %dma_wait3A_292 = tpu.memref_slice %arg3[%dma_wait3A_291] : memref<640000xi32, #tpu.memory_space<hbm>> -> memref<80xi32, #tpu.memory_space<hbm>>
      %dma_wait3A_293 = arith.constant 0 : i32
      %dma_wait3A_294 = tpu.memref_slice %arg3[%dma_wait3A_293] : memref<640000xi32, #tpu.memory_space<hbm>> -> memref<80xi32, #tpu.memory_space<hbm>>
      tpu.wait_dma2 semaphore(%arg23 : memref<!tpu.dma_semaphore, #tpu.memory_space<semaphore_mem>>) src(%dma_wait3A_294 : memref<80xi32, #tpu.memory_space<hbm>>) dst(%arg14 : memref<80xi32, #tpu.memory_space<vmem>>)
      %dma_start3A_295 = arith.constant 0 : i32
      %dma_start3A_296 = arith.constant 0 : i32
      %dma_start3A_297 = tpu.memref_slice %arg2[%dma_start3A_295, %dma_start3A_296] : memref<10000x128xf32, #tpu.memory_space<hbm>> -> memref<10000x128xf32, #tpu.memory_space<hbm>>
      tpu.enqueue_indirect_dma source(%dma_start3A_297 : memref<10000x128xf32, #tpu.memory_space<hbm>>) target(%arg8 : memref<80x128xf32, #tpu.memory_space<vmem>>) offsets(%arg11 : memref<80xi32, #tpu.memory_space<vmem>>) semaphore(%arg20 : memref<!tpu.dma_semaphore, #tpu.memory_space<semaphore_mem>>)
      %dma_wait3A_298 = arith.constant 0 : i32
      %dma_wait3A_299 = arith.constant 0 : i32
      %dma_wait3A_300 = tpu.memref_slice %arg2[%dma_wait3A_298, %dma_wait3A_299] : memref<10000x128xf32, #tpu.memory_space<hbm>> -> memref<10000x128xf32, #tpu.memory_space<hbm>>
      tpu.wait_indirect_dma semaphore(%arg19 : memref<!tpu.dma_semaphore, #tpu.memory_space<semaphore_mem>>) src(%dma_wait3A_300 : memref<10000x128xf32, #tpu.memory_space<hbm>>) dst(%arg7 : memref<80x128xf32, #tpu.memory_space<vmem>>)
      %dma_start3A_301 = arith.constant 0 : i32
      %dma_start3A_302 = arith.constant 0 : i32
      %dma_start3A_303 = tpu.memref_slice %arg17[%dma_start3A_301, %dma_start3A_302] : memref<10240x128xf32, #tpu.memory_space<vmem_shared>> -> memref<10240x128xf32, #tpu.memory_space<vmem_shared>>
      tpu.enqueue_indirect_dma source(%arg7 : memref<80x128xf32, #tpu.memory_space<vmem>>) target(%dma_start3A_303 : memref<10240x128xf32, #tpu.memory_space<vmem_shared>>) offsets(%arg13 : memref<80xi32, #tpu.memory_space<vmem>>) semaphore(%arg25 : memref<!tpu.dma_semaphore, #tpu.memory_space<semaphore_mem>>) {add = true}
      %get3A_304 = arith.constant 0 : index
      %get3A_305 = tpu.vector_load %arg13[%get3A_304] {strides = array<i32>} : memref<80xi32, #tpu.memory_space<vmem>>, vector<16xi32>,
      tpu.vector_store_idx %arg15[%get3A_305], %broadcast_in_dim3A_3 {add = true} : memref<10240xf32, #tpu.memory_space<vmem>>[vector<16xi32>], vector<16xf32>,
      %get3A_306 = arith.constant 16 : index
      %get3A_307 = tpu.vector_load %arg13[%get3A_306] {strides = array<i32>} : memref<80xi32, #tpu.memory_space<vmem>>, vector<16xi32>,
      tpu.vector_store_idx %arg15[%get3A_307], %broadcast_in_dim3A_3 {add = true} : memref<10240xf32, #tpu.memory_space<vmem>>[vector<16xi32>], vector<16xf32>,
      %get3A_308 = arith.constant 32 : index
      %get3A_309 = tpu.vector_load %arg13[%get3A_308] {strides = array<i32>} : memref<80xi32, #tpu.memory_space<vmem>>, vector<16xi32>,
      tpu.vector_store_idx %arg15[%get3A_309], %broadcast_in_dim3A_3 {add = true} : memref<10240xf32, #tpu.memory_space<vmem>>[vector<16xi32>], vector<16xf32>,
      %get3A_310 = arith.constant 48 : index
      %get3A_311 = tpu.vector_load %arg13[%get3A_310] {strides = array<i32>} : memref<80xi32, #tpu.memory_space<vmem>>, vector<16xi32>,
      tpu.vector_store_idx %arg15[%get3A_311], %broadcast_in_dim3A_3 {add = true} : memref<10240xf32, #tpu.memory_space<vmem>>[vector<16xi32>], vector<16xf32>,
      %get3A_312 = arith.constant 64 : index
      %get3A_313 = tpu.vector_load %arg13[%get3A_312] {strides = array<i32>} : memref<80xi32, #tpu.memory_space<vmem>>, vector<16xi32>,
      tpu.vector_store_idx %arg15[%get3A_313], %broadcast_in_dim3A_3 {add = true} : memref<10240xf32, #tpu.memory_space<vmem>>[vector<16xi32>], vector<16xf32>,
      %add3A_314 = arith.constant 1 : i32
      %add3A_315 = arith.addi %add3A_271, %add3A_314 : i32
      %dma_wait3A_316 = arith.constant 0 : i32
      %dma_wait3A_317 = arith.constant 0 : i32
      %dma_wait3A_318 = tpu.memref_slice %arg17[%dma_wait3A_316, %dma_wait3A_317] : memref<10240x128xf32, #tpu.memory_space<vmem_shared>> -> memref<10240x128xf32, #tpu.memory_space<vmem_shared>>
      tpu.wait_indirect_dma semaphore(%arg25 : memref<!tpu.dma_semaphore, #tpu.memory_space<semaphore_mem>>) src(%arg7 : memref<80x128xf32, #tpu.memory_space<vmem>>) dst(%dma_wait3A_318 : memref<10240x128xf32, #tpu.memory_space<vmem_shared>>)
      %mul3A_319 = arith.constant 10000 : i32
      %mul3A_320 = arith.muli %add3A, %mul3A_319 : i32
      %mul3A_321 = arith.constant 80 : i32
      %mul3A_322 = arith.muli %add3A_315, %mul3A_321 : i32
      %add3A_323 = arith.addi %mul3A_320, %mul3A_322 : i32
      %multiple_of3A_324 = tpu.assume_multiple %add3A_323, 8 : i32
      %dma_start3A_325 = tpu.memref_slice %arg3[%multiple_of3A_324] : memref<640000xi32, #tpu.memory_space<hbm>> -> memref<80xi32, #tpu.memory_space<hbm>>
      %dma_start3A_326 = tpu.memref_slice %arg3[%multiple_of3A_324] : memref<640000xi32, #tpu.memory_space<hbm>> -> memref<80xi32, #tpu.memory_space<hbm>>
      tpu.enqueue_dma source(%dma_start3A_326 : memref<80xi32, #tpu.memory_space<hbm>>) target(%arg10 : memref<80xi32, #tpu.memory_space<vmem>>) target_semaphore(%arg22 : memref<!tpu.dma_semaphore, #tpu.memory_space<semaphore_mem>>)
      %add3A_327 = arith.constant 320000 : i32
      %add3A_328 = arith.addi %multiple_of3A_324, %add3A_327 : i32
      %dma_start3A_329 = tpu.memref_slice %arg3[%add3A_328] : memref<640000xi32, #tpu.memory_space<hbm>> -> memref<80xi32, #tpu.memory_space<hbm>>
      %dma_start3A_330 = tpu.memref_slice %arg3[%add3A_328] : memref<640000xi32, #tpu.memory_space<hbm>> -> memref<80xi32, #tpu.memory_space<hbm>>
      tpu.enqueue_dma source(%dma_start3A_330 : memref<80xi32, #tpu.memory_space<hbm>>) target(%arg13 : memref<80xi32, #tpu.memory_space<vmem>>) target_semaphore(%arg22 : memref<!tpu.dma_semaphore, #tpu.memory_space<semaphore_mem>>)
      %dma_wait3A_331 = arith.constant 0 : i32
      %dma_wait3A_332 = tpu.memref_slice %arg3[%dma_wait3A_331] : memref<640000xi32, #tpu.memory_space<hbm>> -> memref<80xi32, #tpu.memory_space<hbm>>
      %dma_wait3A_333 = arith.constant 0 : i32
      %dma_wait3A_334 = tpu.memref_slice %arg3[%dma_wait3A_333] : memref<640000xi32, #tpu.memory_space<hbm>> -> memref<80xi32, #tpu.memory_space<hbm>>
      tpu.wait_dma2 semaphore(%arg21 : memref<!tpu.dma_semaphore, #tpu.memory_space<semaphore_mem>>) src(%dma_wait3A_334 : memref<80xi32, #tpu.memory_space<hbm>>) dst(%arg9 : memref<80xi32, #tpu.memory_space<vmem>>)
      %dma_wait3A_335 = arith.constant 0 : i32
      %dma_wait3A_336 = tpu.memref_slice %arg3[%dma_wait3A_335] : memref<640000xi32, #tpu.memory_space<hbm>> -> memref<80xi32, #tpu.memory_space<hbm>>
      %dma_wait3A_337 = arith.constant 0 : i32
      %dma_wait3A_338 = tpu.memref_slice %arg3[%dma_wait3A_337] : memref<640000xi32, #tpu.memory_space<hbm>> -> memref<80xi32, #tpu.memory_space<hbm>>
      tpu.wait_dma2 semaphore(%arg21 : memref<!tpu.dma_semaphore, #tpu.memory_space<semaphore_mem>>) src(%dma_wait3A_338 : memref<80xi32, #tpu.memory_space<hbm>>) dst(%arg12 : memref<80xi32, #tpu.memory_space<vmem>>)
      %dma_start3A_339 = arith.constant 0 : i32
      %dma_start3A_340 = arith.constant 0 : i32
      %dma_start3A_341 = tpu.memref_slice %arg2[%dma_start3A_339, %dma_start3A_340] : memref<10000x128xf32, #tpu.memory_space<hbm>> -> memref<10000x128xf32, #tpu.memory_space<hbm>>
      tpu.enqueue_indirect_dma source(%dma_start3A_341 : memref<10000x128xf32, #tpu.memory_space<hbm>>) target(%arg6 : memref<80x128xf32, #tpu.memory_space<vmem>>) offsets(%arg9 : memref<80xi32, #tpu.memory_space<vmem>>) semaphore(%arg18 : memref<!tpu.dma_semaphore, #tpu.memory_space<semaphore_mem>>)
      %dma_wait3A_342 = arith.constant 0 : i32
      %dma_wait3A_343 = arith.constant 0 : i32
      %dma_wait3A_344 = tpu.memref_slice %arg2[%dma_wait3A_342, %dma_wait3A_343] : memref<10000x128xf32, #tpu.memory_space<hbm>> -> memref<10000x128xf32, #tpu.memory_space<hbm>>
      tpu.wait_indirect_dma semaphore(%arg20 : memref<!tpu.dma_semaphore, #tpu.memory_space<semaphore_mem>>) src(%dma_wait3A_344 : memref<10000x128xf32, #tpu.memory_space<hbm>>) dst(%arg8 : memref<80x128xf32, #tpu.memory_space<vmem>>)
      %dma_start3A_345 = arith.constant 0 : i32
      %dma_start3A_346 = arith.constant 0 : i32
      %dma_start3A_347 = tpu.memref_slice %arg17[%dma_start3A_345, %dma_start3A_346] : memref<10240x128xf32, #tpu.memory_space<vmem_shared>> -> memref<10240x128xf32, #tpu.memory_space<vmem_shared>>
      tpu.enqueue_indirect_dma source(%arg8 : memref<80x128xf32, #tpu.memory_space<vmem>>) target(%dma_start3A_347 : memref<10240x128xf32, #tpu.memory_space<vmem_shared>>) offsets(%arg14 : memref<80xi32, #tpu.memory_space<vmem>>) semaphore(%arg26 : memref<!tpu.dma_semaphore, #tpu.memory_space<semaphore_mem>>) {add = true}
      %get3A_348 = arith.constant 0 : index
      %get3A_349 = tpu.vector_load %arg14[%get3A_348] {strides = array<i32>} : memref<80xi32, #tpu.memory_space<vmem>>, vector<16xi32>,
      tpu.vector_store_idx %arg15[%get3A_349], %broadcast_in_dim3A_3 {add = true} : memref<10240xf32, #tpu.memory_space<vmem>>[vector<16xi32>], vector<16xf32>,
      %get3A_350 = arith.constant 16 : index
      %get3A_351 = tpu.vector_load %arg14[%get3A_350] {strides = array<i32>} : memref<80xi32, #tpu.memory_space<vmem>>, vector<16xi32>,
      tpu.vector_store_idx %arg15[%get3A_351], %broadcast_in_dim3A_3 {add = true} : memref<10240xf32, #tpu.memory_space<vmem>>[vector<16xi32>], vector<16xf32>,
      %get3A_352 = arith.constant 32 : index
      %get3A_353 = tpu.vector_load %arg14[%get3A_352] {strides = array<i32>} : memref<80xi32, #tpu.memory_space<vmem>>, vector<16xi32>,
      tpu.vector_store_idx %arg15[%get3A_353], %broadcast_in_dim3A_3 {add = true} : memref<10240xf32, #tpu.memory_space<vmem>>[vector<16xi32>], vector<16xf32>,
      %get3A_354 = arith.constant 48 : index
      %get3A_355 = tpu.vector_load %arg14[%get3A_354] {strides = array<i32>} : memref<80xi32, #tpu.memory_space<vmem>>, vector<16xi32>,
      tpu.vector_store_idx %arg15[%get3A_355], %broadcast_in_dim3A_3 {add = true} : memref<10240xf32, #tpu.memory_space<vmem>>[vector<16xi32>], vector<16xf32>,
      %get3A_356 = arith.constant 64 : index
      %get3A_357 = tpu.vector_load %arg14[%get3A_356] {strides = array<i32>} : memref<80xi32, #tpu.memory_space<vmem>>, vector<16xi32>,
      tpu.vector_store_idx %arg15[%get3A_357], %broadcast_in_dim3A_3 {add = true} : memref<10240xf32, #tpu.memory_space<vmem>>[vector<16xi32>], vector<16xf32>,
      %add3A_358 = arith.constant 2 : i32
      %add3A_359 = arith.addi %add3A_271, %add3A_358 : i32
      %dma_wait3A_360 = arith.constant 0 : i32
      %dma_wait3A_361 = arith.constant 0 : i32
      %dma_wait3A_362 = tpu.memref_slice %arg17[%dma_wait3A_360, %dma_wait3A_361] : memref<10240x128xf32, #tpu.memory_space<vmem_shared>> -> memref<10240x128xf32, #tpu.memory_space<vmem_shared>>
      tpu.wait_indirect_dma semaphore(%arg26 : memref<!tpu.dma_semaphore, #tpu.memory_space<semaphore_mem>>) src(%arg8 : memref<80x128xf32, #tpu.memory_space<vmem>>) dst(%dma_wait3A_362 : memref<10240x128xf32, #tpu.memory_space<vmem_shared>>)
      %mul3A_363 = arith.constant 10000 : i32
      %mul3A_364 = arith.muli %add3A, %mul3A_363 : i32
      %mul3A_365 = arith.constant 80 : i32
      %mul3A_366 = arith.muli %add3A_359, %mul3A_365 : i32
      %add3A_367 = arith.addi %mul3A_364, %mul3A_366 : i32
      %multiple_of3A_368 = tpu.assume_multiple %add3A_367, 8 : i32
      %dma_start3A_369 = tpu.memref_slice %arg3[%multiple_of3A_368] : memref<640000xi32, #tpu.memory_space<hbm>> -> memref<80xi32, #tpu.memory_space<hbm>>
      %dma_start3A_370 = tpu.memref_slice %arg3[%multiple_of3A_368] : memref<640000xi32, #tpu.memory_space<hbm>> -> memref<80xi32, #tpu.memory_space<hbm>>
      tpu.enqueue_dma source(%dma_start3A_370 : memref<80xi32, #tpu.memory_space<hbm>>) target(%arg11 : memref<80xi32, #tpu.memory_space<vmem>>) target_semaphore(%arg23 : memref<!tpu.dma_semaphore, #tpu.memory_space<semaphore_mem>>)
      %add3A_371 = arith.constant 320000 : i32
      %add3A_372 = arith.addi %multiple_of3A_368, %add3A_371 : i32
      %dma_start3A_373 = tpu.memref_slice %arg3[%add3A_372] : memref<640000xi32, #tpu.memory_space<hbm>> -> memref<80xi32, #tpu.memory_space<hbm>>
      %dma_start3A_374 = tpu.memref_slice %arg3[%add3A_372] : memref<640000xi32, #tpu.memory_space<hbm>> -> memref<80xi32, #tpu.memory_space<hbm>>
      tpu.enqueue_dma source(%dma_start3A_374 : memref<80xi32, #tpu.memory_space<hbm>>) target(%arg14 : memref<80xi32, #tpu.memory_space<vmem>>) target_semaphore(%arg23 : memref<!tpu.dma_semaphore, #tpu.memory_space<semaphore_mem>>)
      %dma_wait3A_375 = arith.constant 0 : i32
      %dma_wait3A_376 = tpu.memref_slice %arg3[%dma_wait3A_375] : memref<640000xi32, #tpu.memory_space<hbm>> -> memref<80xi32, #tpu.memory_space<hbm>>
      %dma_wait3A_377 = arith.constant 0 : i32
      %dma_wait3A_378 = tpu.memref_slice %arg3[%dma_wait3A_377] : memref<640000xi32, #tpu.memory_space<hbm>> -> memref<80xi32, #tpu.memory_space<hbm>>
      tpu.wait_dma2 semaphore(%arg22 : memref<!tpu.dma_semaphore, #tpu.memory_space<semaphore_mem>>) src(%dma_wait3A_378 : memref<80xi32, #tpu.memory_space<hbm>>) dst(%arg10 : memref<80xi32, #tpu.memory_space<vmem>>)
      %dma_wait3A_379 = arith.constant 0 : i32
      %dma_wait3A_380 = tpu.memref_slice %arg3[%dma_wait3A_379] : memref<640000xi32, #tpu.memory_space<hbm>> -> memref<80xi32, #tpu.memory_space<hbm>>
      %dma_wait3A_381 = arith.constant 0 : i32
      %dma_wait3A_382 = tpu.memref_slice %arg3[%dma_wait3A_381] : memref<640000xi32, #tpu.memory_space<hbm>> -> memref<80xi32, #tpu.memory_space<hbm>>
      tpu.wait_dma2 semaphore(%arg22 : memref<!tpu.dma_semaphore, #tpu.memory_space<semaphore_mem>>) src(%dma_wait3A_382 : memref<80xi32, #tpu.memory_space<hbm>>) dst(%arg13 : memref<80xi32, #tpu.memory_space<vmem>>)
      %dma_start3A_383 = arith.constant 0 : i32
      %dma_start3A_384 = arith.constant 0 : i32
      %dma_start3A_385 = tpu.memref_slice %arg2[%dma_start3A_383, %dma_start3A_384] : memref<10000x128xf32, #tpu.memory_space<hbm>> -> memref<10000x128xf32, #tpu.memory_space<hbm>>
      tpu.enqueue_indirect_dma source(%dma_start3A_385 : memref<10000x128xf32, #tpu.memory_space<hbm>>) target(%arg7 : memref<80x128xf32, #tpu.memory_space<vmem>>) offsets(%arg10 : memref<80xi32, #tpu.memory_space<vmem>>) semaphore(%arg19 : memref<!tpu.dma_semaphore, #tpu.memory_space<semaphore_mem>>)
      %dma_wait3A_386 = arith.constant 0 : i32
      %dma_wait3A_387 = arith.constant 0 : i32
      %dma_wait3A_388 = tpu.memref_slice %arg2[%dma_wait3A_386, %dma_wait3A_387] : memref<10000x128xf32, #tpu.memory_space<hbm>> -> memref<10000x128xf32, #tpu.memory_space<hbm>>
      tpu.wait_indirect_dma semaphore(%arg18 : memref<!tpu.dma_semaphore, #tpu.memory_space<semaphore_mem>>) src(%dma_wait3A_388 : memref<10000x128xf32, #tpu.memory_space<hbm>>) dst(%arg6 : memref<80x128xf32, #tpu.memory_space<vmem>>)
      %dma_start3A_389 = arith.constant 0 : i32
      %dma_start3A_390 = arith.constant 0 : i32
      %dma_start3A_391 = tpu.memref_slice %arg17[%dma_start3A_389, %dma_start3A_390] : memref<10240x128xf32, #tpu.memory_space<vmem_shared>> -> memref<10240x128xf32, #tpu.memory_space<vmem_shared>>
      tpu.enqueue_indirect_dma source(%arg6 : memref<80x128xf32, #tpu.memory_space<vmem>>) target(%dma_start3A_391 : memref<10240x128xf32, #tpu.memory_space<vmem_shared>>) offsets(%arg12 : memref<80xi32, #tpu.memory_space<vmem>>) semaphore(%arg24 : memref<!tpu.dma_semaphore, #tpu.memory_space<semaphore_mem>>) {add = true}
      %get3A_392 = arith.constant 0 : index
      %get3A_393 = tpu.vector_load %arg12[%get3A_392] {strides = array<i32>} : memref<80xi32, #tpu.memory_space<vmem>>, vector<16xi32>,
      tpu.vector_store_idx %arg15[%get3A_393], %broadcast_in_dim3A_3 {add = true} : memref<10240xf32, #tpu.memory_space<vmem>>[vector<16xi32>], vector<16xf32>,
      %get3A_394 = arith.constant 16 : index
      %get3A_395 = tpu.vector_load %arg12[%get3A_394] {strides = array<i32>} : memref<80xi32, #tpu.memory_space<vmem>>, vector<16xi32>,
      tpu.vector_store_idx %arg15[%get3A_395], %broadcast_in_dim3A_3 {add = true} : memref<10240xf32, #tpu.memory_space<vmem>>[vector<16xi32>], vector<16xf32>,
      %get3A_396 = arith.constant 32 : index
      %get3A_397 = tpu.vector_load %arg12[%get3A_396] {strides = array<i32>} : memref<80xi32, #tpu.memory_space<vmem>>, vector<16xi32>,
      tpu.vector_store_idx %arg15[%get3A_397], %broadcast_in_dim3A_3 {add = true} : memref<10240xf32, #tpu.memory_space<vmem>>[vector<16xi32>], vector<16xf32>,
      %get3A_398 = arith.constant 48 : index
      %get3A_399 = tpu.vector_load %arg12[%get3A_398] {strides = array<i32>} : memref<80xi32, #tpu.memory_space<vmem>>, vector<16xi32>,
      tpu.vector_store_idx %arg15[%get3A_399], %broadcast_in_dim3A_3 {add = true} : memref<10240xf32, #tpu.memory_space<vmem>>[vector<16xi32>], vector<16xf32>,
      %get3A_400 = arith.constant 64 : index
      %get3A_401 = tpu.vector_load %arg12[%get3A_400] {strides = array<i32>} : memref<80xi32, #tpu.memory_space<vmem>>, vector<16xi32>,
      tpu.vector_store_idx %arg15[%get3A_401], %broadcast_in_dim3A_3 {add = true} : memref<10240xf32, #tpu.memory_space<vmem>>[vector<16xi32>], vector<16xf32>,
    }
    %scan3A_129 = arith.constant 40 : i32
    %dma_wait3A_130 = arith.constant 0 : i32
    %dma_wait3A_131 = arith.constant 0 : i32
    %dma_wait3A_132 = tpu.memref_slice %arg17[%dma_wait3A_130, %dma_wait3A_131] : memref<10240x128xf32, #tpu.memory_space<vmem_shared>> -> memref<10240x128xf32, #tpu.memory_space<vmem_shared>>
    tpu.wait_indirect_dma semaphore(%arg24 : memref<!tpu.dma_semaphore, #tpu.memory_space<semaphore_mem>>) src(%arg6 : memref<80x128xf32, #tpu.memory_space<vmem>>) dst(%dma_wait3A_132 : memref<10240x128xf32, #tpu.memory_space<vmem_shared>>)
    %mul3A_133 = arith.constant 10000 : i32
    %mul3A_134 = arith.muli %add3A, %mul3A_133 : i32
    %add3A_135 = arith.constant 9840 : i32
    %add3A_136 = arith.addi %mul3A_134, %add3A_135 : i32
    %multiple_of3A_137 = tpu.assume_multiple %add3A_136, 8 : i32
    %dma_start3A_138 = tpu.memref_slice %arg3[%multiple_of3A_137] : memref<640000xi32, #tpu.memory_space<hbm>> -> memref<80xi32, #tpu.memory_space<hbm>>
    %dma_start3A_139 = tpu.memref_slice %arg3[%multiple_of3A_137] : memref<640000xi32, #tpu.memory_space<hbm>> -> memref<80xi32, #tpu.memory_space<hbm>>
    tpu.enqueue_dma source(%dma_start3A_139 : memref<80xi32, #tpu.memory_space<hbm>>) target(%arg9 : memref<80xi32, #tpu.memory_space<vmem>>) target_semaphore(%arg21 : memref<!tpu.dma_semaphore, #tpu.memory_space<semaphore_mem>>)
    %add3A_140 = arith.constant 320000 : i32
    %add3A_141 = arith.addi %multiple_of3A_137, %add3A_140 : i32
    %dma_start3A_142 = tpu.memref_slice %arg3[%add3A_141] : memref<640000xi32, #tpu.memory_space<hbm>> -> memref<80xi32, #tpu.memory_space<hbm>>
    %dma_start3A_143 = tpu.memref_slice %arg3[%add3A_141] : memref<640000xi32, #tpu.memory_space<hbm>> -> memref<80xi32, #tpu.memory_space<hbm>>
    tpu.enqueue_dma source(%dma_start3A_143 : memref<80xi32, #tpu.memory_space<hbm>>) target(%arg12 : memref<80xi32, #tpu.memory_space<vmem>>) target_semaphore(%arg21 : memref<!tpu.dma_semaphore, #tpu.memory_space<semaphore_mem>>)
    %dma_wait3A_144 = arith.constant 0 : i32
    %dma_wait3A_145 = tpu.memref_slice %arg3[%dma_wait3A_144] : memref<640000xi32, #tpu.memory_space<hbm>> -> memref<80xi32, #tpu.memory_space<hbm>>
    %dma_wait3A_146 = arith.constant 0 : i32
    %dma_wait3A_147 = tpu.memref_slice %arg3[%dma_wait3A_146] : memref<640000xi32, #tpu.memory_space<hbm>> -> memref<80xi32, #tpu.memory_space<hbm>>
    tpu.wait_dma2 semaphore(%arg23 : memref<!tpu.dma_semaphore, #tpu.memory_space<semaphore_mem>>) src(%dma_wait3A_147 : memref<80xi32, #tpu.memory_space<hbm>>) dst(%arg11 : memref<80xi32, #tpu.memory_space<vmem>>)
    %dma_wait3A_148 = arith.constant 0 : i32
    %dma_wait3A_149 = tpu.memref_slice %arg3[%dma_wait3A_148] : memref<640000xi32, #tpu.memory_space<hbm>> -> memref<80xi32, #tpu.memory_space<hbm>>
    %dma_wait3A_150 = arith.constant 0 : i32
    %dma_wait3A_151 = tpu.memref_slice %arg3[%dma_wait3A_150] : memref<640000xi32, #tpu.memory_space<hbm>> -> memref<80xi32, #tpu.memory_space<hbm>>
    tpu.wait_dma2 semaphore(%arg23 : memref<!tpu.dma_semaphore, #tpu.memory_space<semaphore_mem>>) src(%dma_wait3A_151 : memref<80xi32, #tpu.memory_space<hbm>>) dst(%arg14 : memref<80xi32, #tpu.memory_space<vmem>>)
    %dma_start3A_152 = arith.constant 0 : i32
    %dma_start3A_153 = arith.constant 0 : i32
    %dma_start3A_154 = tpu.memref_slice %arg2[%dma_start3A_152, %dma_start3A_153] : memref<10000x128xf32, #tpu.memory_space<hbm>> -> memref<10000x128xf32, #tpu.memory_space<hbm>>
    tpu.enqueue_indirect_dma source(%dma_start3A_154 : memref<10000x128xf32, #tpu.memory_space<hbm>>) target(%arg8 : memref<80x128xf32, #tpu.memory_space<vmem>>) offsets(%arg11 : memref<80xi32, #tpu.memory_space<vmem>>) semaphore(%arg20 : memref<!tpu.dma_semaphore, #tpu.memory_space<semaphore_mem>>)
    %dma_wait3A_155 = arith.constant 0 : i32
    %dma_wait3A_156 = arith.constant 0 : i32
    %dma_wait3A_157 = tpu.memref_slice %arg2[%dma_wait3A_155, %dma_wait3A_156] : memref<10000x128xf32, #tpu.memory_space<hbm>> -> memref<10000x128xf32, #tpu.memory_space<hbm>>
    tpu.wait_indirect_dma semaphore(%arg19 : memref<!tpu.dma_semaphore, #tpu.memory_space<semaphore_mem>>) src(%dma_wait3A_157 : memref<10000x128xf32, #tpu.memory_space<hbm>>) dst(%arg7 : memref<80x128xf32, #tpu.memory_space<vmem>>)
    %dma_start3A_158 = arith.constant 0 : i32
    %dma_start3A_159 = arith.constant 0 : i32
    %dma_start3A_160 = tpu.memref_slice %arg17[%dma_start3A_158, %dma_start3A_159] : memref<10240x128xf32, #tpu.memory_space<vmem_shared>> -> memref<10240x128xf32, #tpu.memory_space<vmem_shared>>
    tpu.enqueue_indirect_dma source(%arg7 : memref<80x128xf32, #tpu.memory_space<vmem>>) target(%dma_start3A_160 : memref<10240x128xf32, #tpu.memory_space<vmem_shared>>) offsets(%arg13 : memref<80xi32, #tpu.memory_space<vmem>>) semaphore(%arg25 : memref<!tpu.dma_semaphore, #tpu.memory_space<semaphore_mem>>) {add = true}
    %get3A_161 = arith.constant 0 : index
    %get3A_162 = tpu.vector_load %arg13[%get3A_161] {strides = array<i32>} : memref<80xi32, #tpu.memory_space<vmem>>, vector<16xi32>,
    tpu.vector_store_idx %arg15[%get3A_162], %broadcast_in_dim3A_3 {add = true} : memref<10240xf32, #tpu.memory_space<vmem>>[vector<16xi32>], vector<16xf32>,
    %get3A_163 = arith.constant 16 : index
    %get3A_164 = tpu.vector_load %arg13[%get3A_163] {strides = array<i32>} : memref<80xi32, #tpu.memory_space<vmem>>, vector<16xi32>,
    tpu.vector_store_idx %arg15[%get3A_164], %broadcast_in_dim3A_3 {add = true} : memref<10240xf32, #tpu.memory_space<vmem>>[vector<16xi32>], vector<16xf32>,
    %get3A_165 = arith.constant 32 : index
    %get3A_166 = tpu.vector_load %arg13[%get3A_165] {strides = array<i32>} : memref<80xi32, #tpu.memory_space<vmem>>, vector<16xi32>,
    tpu.vector_store_idx %arg15[%get3A_166], %broadcast_in_dim3A_3 {add = true} : memref<10240xf32, #tpu.memory_space<vmem>>[vector<16xi32>], vector<16xf32>,
    %get3A_167 = arith.constant 48 : index
    %get3A_168 = tpu.vector_load %arg13[%get3A_167] {strides = array<i32>} : memref<80xi32, #tpu.memory_space<vmem>>, vector<16xi32>,
    tpu.vector_store_idx %arg15[%get3A_168], %broadcast_in_dim3A_3 {add = true} : memref<10240xf32, #tpu.memory_space<vmem>>[vector<16xi32>], vector<16xf32>,
    %get3A_169 = arith.constant 64 : index
    %get3A_170 = tpu.vector_load %arg13[%get3A_169] {strides = array<i32>} : memref<80xi32, #tpu.memory_space<vmem>>, vector<16xi32>,
    tpu.vector_store_idx %arg15[%get3A_170], %broadcast_in_dim3A_3 {add = true} : memref<10240xf32, #tpu.memory_space<vmem>>[vector<16xi32>], vector<16xf32>,
    %dma_wait3A_171 = arith.constant 0 : i32
    %dma_wait3A_172 = arith.constant 0 : i32
    %dma_wait3A_173 = tpu.memref_slice %arg17[%dma_wait3A_171, %dma_wait3A_172] : memref<10240x128xf32, #tpu.memory_space<vmem_shared>> -> memref<10240x128xf32, #tpu.memory_space<vmem_shared>>
    tpu.wait_indirect_dma semaphore(%arg25 : memref<!tpu.dma_semaphore, #tpu.memory_space<semaphore_mem>>) src(%arg7 : memref<80x128xf32, #tpu.memory_space<vmem>>) dst(%dma_wait3A_173 : memref<10240x128xf32, #tpu.memory_space<vmem_shared>>)
    %mul3A_174 = arith.constant 10000 : i32
    %mul3A_175 = arith.muli %add3A, %mul3A_174 : i32
    %add3A_176 = arith.constant 9920 : i32
    %add3A_177 = arith.addi %mul3A_175, %add3A_176 : i32
    %multiple_of3A_178 = tpu.assume_multiple %add3A_177, 8 : i32
    %dma_start3A_179 = tpu.memref_slice %arg3[%multiple_of3A_178] : memref<640000xi32, #tpu.memory_space<hbm>> -> memref<80xi32, #tpu.memory_space<hbm>>
    %dma_start3A_180 = tpu.memref_slice %arg3[%multiple_of3A_178] : memref<640000xi32, #tpu.memory_space<hbm>> -> memref<80xi32, #tpu.memory_space<hbm>>
    tpu.enqueue_dma source(%dma_start3A_180 : memref<80xi32, #tpu.memory_space<hbm>>) target(%arg10 : memref<80xi32, #tpu.memory_space<vmem>>) target_semaphore(%arg22 : memref<!tpu.dma_semaphore, #tpu.memory_space<semaphore_mem>>)
    %add3A_181 = arith.constant 320000 : i32
    %add3A_182 = arith.addi %multiple_of3A_178, %add3A_181 : i32
    %dma_start3A_183 = tpu.memref_slice %arg3[%add3A_182] : memref<640000xi32, #tpu.memory_space<hbm>> -> memref<80xi32, #tpu.memory_space<hbm>>
    %dma_start3A_184 = tpu.memref_slice %arg3[%add3A_182] : memref<640000xi32, #tpu.memory_space<hbm>> -> memref<80xi32, #tpu.memory_space<hbm>>
    tpu.enqueue_dma source(%dma_start3A_184 : memref<80xi32, #tpu.memory_space<hbm>>) target(%arg13 : memref<80xi32, #tpu.memory_space<vmem>>) target_semaphore(%arg22 : memref<!tpu.dma_semaphore, #tpu.memory_space<semaphore_mem>>)
    %dma_wait3A_185 = arith.constant 0 : i32
    %dma_wait3A_186 = tpu.memref_slice %arg3[%dma_wait3A_185] : memref<640000xi32, #tpu.memory_space<hbm>> -> memref<80xi32, #tpu.memory_space<hbm>>
    %dma_wait3A_187 = arith.constant 0 : i32
    %dma_wait3A_188 = tpu.memref_slice %arg3[%dma_wait3A_187] : memref<640000xi32, #tpu.memory_space<hbm>> -> memref<80xi32, #tpu.memory_space<hbm>>
    tpu.wait_dma2 semaphore(%arg21 : memref<!tpu.dma_semaphore, #tpu.memory_space<semaphore_mem>>) src(%dma_wait3A_188 : memref<80xi32, #tpu.memory_space<hbm>>) dst(%arg9 : memref<80xi32, #tpu.memory_space<vmem>>)
    %dma_wait3A_189 = arith.constant 0 : i32
    %dma_wait3A_190 = tpu.memref_slice %arg3[%dma_wait3A_189] : memref<640000xi32, #tpu.memory_space<hbm>> -> memref<80xi32, #tpu.memory_space<hbm>>
    %dma_wait3A_191 = arith.constant 0 : i32
    %dma_wait3A_192 = tpu.memref_slice %arg3[%dma_wait3A_191] : memref<640000xi32, #tpu.memory_space<hbm>> -> memref<80xi32, #tpu.memory_space<hbm>>
    tpu.wait_dma2 semaphore(%arg21 : memref<!tpu.dma_semaphore, #tpu.memory_space<semaphore_mem>>) src(%dma_wait3A_192 : memref<80xi32, #tpu.memory_space<hbm>>) dst(%arg12 : memref<80xi32, #tpu.memory_space<vmem>>)
    %dma_start3A_193 = arith.constant 0 : i32
    %dma_start3A_194 = arith.constant 0 : i32
    %dma_start3A_195 = tpu.memref_slice %arg2[%dma_start3A_193, %dma_start3A_194] : memref<10000x128xf32, #tpu.memory_space<hbm>> -> memref<10000x128xf32, #tpu.memory_space<hbm>>
    tpu.enqueue_indirect_dma source(%dma_start3A_195 : memref<10000x128xf32, #tpu.memory_space<hbm>>) target(%arg6 : memref<80x128xf32, #tpu.memory_space<vmem>>) offsets(%arg9 : memref<80xi32, #tpu.memory_space<vmem>>) semaphore(%arg18 : memref<!tpu.dma_semaphore, #tpu.memory_space<semaphore_mem>>)
    %dma_wait3A_196 = arith.constant 0 : i32
    %dma_wait3A_197 = arith.constant 0 : i32
    %dma_wait3A_198 = tpu.memref_slice %arg2[%dma_wait3A_196, %dma_wait3A_197] : memref<10000x128xf32, #tpu.memory_space<hbm>> -> memref<10000x128xf32, #tpu.memory_space<hbm>>
    tpu.wait_indirect_dma semaphore(%arg20 : memref<!tpu.dma_semaphore, #tpu.memory_space<semaphore_mem>>) src(%dma_wait3A_198 : memref<10000x128xf32, #tpu.memory_space<hbm>>) dst(%arg8 : memref<80x128xf32, #tpu.memory_space<vmem>>)
    %dma_start3A_199 = arith.constant 0 : i32
    %dma_start3A_200 = arith.constant 0 : i32
    %dma_start3A_201 = tpu.memref_slice %arg17[%dma_start3A_199, %dma_start3A_200] : memref<10240x128xf32, #tpu.memory_space<vmem_shared>> -> memref<10240x128xf32, #tpu.memory_space<vmem_shared>>
    tpu.enqueue_indirect_dma source(%arg8 : memref<80x128xf32, #tpu.memory_space<vmem>>) target(%dma_start3A_201 : memref<10240x128xf32, #tpu.memory_space<vmem_shared>>) offsets(%arg14 : memref<80xi32, #tpu.memory_space<vmem>>) semaphore(%arg26 : memref<!tpu.dma_semaphore, #tpu.memory_space<semaphore_mem>>) {add = true}
    %get3A_202 = arith.constant 0 : index
    %get3A_203 = tpu.vector_load %arg14[%get3A_202] {strides = array<i32>} : memref<80xi32, #tpu.memory_space<vmem>>, vector<16xi32>,
    tpu.vector_store_idx %arg15[%get3A_203], %broadcast_in_dim3A_3 {add = true} : memref<10240xf32, #tpu.memory_space<vmem>>[vector<16xi32>], vector<16xf32>,
    %get3A_204 = arith.constant 16 : index
    %get3A_205 = tpu.vector_load %arg14[%get3A_204] {strides = array<i32>} : memref<80xi32, #tpu.memory_space<vmem>>, vector<16xi32>,
    tpu.vector_store_idx %arg15[%get3A_205], %broadcast_in_dim3A_3 {add = true} : memref<10240xf32, #tpu.memory_space<vmem>>[vector<16xi32>], vector<16xf32>,
    %get3A_206 = arith.constant 32 : index
    %get3A_207 = tpu.vector_load %arg14[%get3A_206] {strides = array<i32>} : memref<80xi32, #tpu.memory_space<vmem>>, vector<16xi32>,
    tpu.vector_store_idx %arg15[%get3A_207], %broadcast_in_dim3A_3 {add = true} : memref<10240xf32, #tpu.memory_space<vmem>>[vector<16xi32>], vector<16xf32>,
    %get3A_208 = arith.constant 48 : index
    %get3A_209 = tpu.vector_load %arg14[%get3A_208] {strides = array<i32>} : memref<80xi32, #tpu.memory_space<vmem>>, vector<16xi32>,
    tpu.vector_store_idx %arg15[%get3A_209], %broadcast_in_dim3A_3 {add = true} : memref<10240xf32, #tpu.memory_space<vmem>>[vector<16xi32>], vector<16xf32>,
    %get3A_210 = arith.constant 64 : index
    %get3A_211 = tpu.vector_load %arg14[%get3A_210] {strides = array<i32>} : memref<80xi32, #tpu.memory_space<vmem>>, vector<16xi32>,
    tpu.vector_store_idx %arg15[%get3A_211], %broadcast_in_dim3A_3 {add = true} : memref<10240xf32, #tpu.memory_space<vmem>>[vector<16xi32>], vector<16xf32>,
    %dma_wait3A_212 = arith.constant 0 : i32
    %dma_wait3A_213 = tpu.memref_slice %arg3[%dma_wait3A_212] : memref<640000xi32, #tpu.memory_space<hbm>> -> memref<80xi32, #tpu.memory_space<hbm>>
    %dma_wait3A_214 = arith.constant 0 : i32
    %dma_wait3A_215 = tpu.memref_slice %arg3[%dma_wait3A_214] : memref<640000xi32, #tpu.memory_space<hbm>> -> memref<80xi32, #tpu.memory_space<hbm>>
    tpu.wait_dma2 semaphore(%arg22 : memref<!tpu.dma_semaphore, #tpu.memory_space<semaphore_mem>>) src(%dma_wait3A_215 : memref<80xi32, #tpu.memory_space<hbm>>) dst(%arg10 : memref<80xi32, #tpu.memory_space<vmem>>)
    %dma_wait3A_216 = arith.constant 0 : i32
    %dma_wait3A_217 = tpu.memref_slice %arg3[%dma_wait3A_216] : memref<640000xi32, #tpu.memory_space<hbm>> -> memref<80xi32, #tpu.memory_space<hbm>>
    %dma_wait3A_218 = arith.constant 0 : i32
    %dma_wait3A_219 = tpu.memref_slice %arg3[%dma_wait3A_218] : memref<640000xi32, #tpu.memory_space<hbm>> -> memref<80xi32, #tpu.memory_space<hbm>>
    tpu.wait_dma2 semaphore(%arg22 : memref<!tpu.dma_semaphore, #tpu.memory_space<semaphore_mem>>) src(%dma_wait3A_219 : memref<80xi32, #tpu.memory_space<hbm>>) dst(%arg13 : memref<80xi32, #tpu.memory_space<vmem>>)
    %dma_start3A_220 = arith.constant 0 : i32
    %dma_start3A_221 = arith.constant 0 : i32
    %dma_start3A_222 = tpu.memref_slice %arg2[%dma_start3A_220, %dma_start3A_221] : memref<10000x128xf32, #tpu.memory_space<hbm>> -> memref<10000x128xf32, #tpu.memory_space<hbm>>
    tpu.enqueue_indirect_dma source(%dma_start3A_222 : memref<10000x128xf32, #tpu.memory_space<hbm>>) target(%arg7 : memref<80x128xf32, #tpu.memory_space<vmem>>) offsets(%arg10 : memref<80xi32, #tpu.memory_space<vmem>>) semaphore(%arg19 : memref<!tpu.dma_semaphore, #tpu.memory_space<semaphore_mem>>)
    %dma_wait3A_223 = arith.constant 0 : i32
    %dma_wait3A_224 = arith.constant 0 : i32
    %dma_wait3A_225 = tpu.memref_slice %arg2[%dma_wait3A_223, %dma_wait3A_224] : memref<10000x128xf32, #tpu.memory_space<hbm>> -> memref<10000x128xf32, #tpu.memory_space<hbm>>
    tpu.wait_indirect_dma semaphore(%arg18 : memref<!tpu.dma_semaphore, #tpu.memory_space<semaphore_mem>>) src(%dma_wait3A_225 : memref<10000x128xf32, #tpu.memory_space<hbm>>) dst(%arg6 : memref<80x128xf32, #tpu.memory_space<vmem>>)
    %dma_start3A_226 = arith.constant 0 : i32
    %dma_start3A_227 = arith.constant 0 : i32
    %dma_start3A_228 = tpu.memref_slice %arg17[%dma_start3A_226, %dma_start3A_227] : memref<10240x128xf32, #tpu.memory_space<vmem_shared>> -> memref<10240x128xf32, #tpu.memory_space<vmem_shared>>
    tpu.enqueue_indirect_dma source(%arg6 : memref<80x128xf32, #tpu.memory_space<vmem>>) target(%dma_start3A_228 : memref<10240x128xf32, #tpu.memory_space<vmem_shared>>) offsets(%arg12 : memref<80xi32, #tpu.memory_space<vmem>>) semaphore(%arg24 : memref<!tpu.dma_semaphore, #tpu.memory_space<semaphore_mem>>) {add = true}
    %get3A_229 = arith.constant 0 : index
    %get3A_230 = tpu.vector_load %arg12[%get3A_229] {strides = array<i32>} : memref<80xi32, #tpu.memory_space<vmem>>, vector<16xi32>,
    tpu.vector_store_idx %arg15[%get3A_230], %broadcast_in_dim3A_3 {add = true} : memref<10240xf32, #tpu.memory_space<vmem>>[vector<16xi32>], vector<16xf32>,
    %get3A_231 = arith.constant 16 : index
    %get3A_232 = tpu.vector_load %arg12[%get3A_231] {strides = array<i32>} : memref<80xi32, #tpu.memory_space<vmem>>, vector<16xi32>,
    tpu.vector_store_idx %arg15[%get3A_232], %broadcast_in_dim3A_3 {add = true} : memref<10240xf32, #tpu.memory_space<vmem>>[vector<16xi32>], vector<16xf32>,
    %get3A_233 = arith.constant 32 : index
    %get3A_234 = tpu.vector_load %arg12[%get3A_233] {strides = array<i32>} : memref<80xi32, #tpu.memory_space<vmem>>, vector<16xi32>,
    tpu.vector_store_idx %arg15[%get3A_234], %broadcast_in_dim3A_3 {add = true} : memref<10240xf32, #tpu.memory_space<vmem>>[vector<16xi32>], vector<16xf32>,
    %get3A_235 = arith.constant 48 : index
    %get3A_236 = tpu.vector_load %arg12[%get3A_235] {strides = array<i32>} : memref<80xi32, #tpu.memory_space<vmem>>, vector<16xi32>,
    tpu.vector_store_idx %arg15[%get3A_236], %broadcast_in_dim3A_3 {add = true} : memref<10240xf32, #tpu.memory_space<vmem>>[vector<16xi32>], vector<16xf32>,
    %get3A_237 = arith.constant 64 : index
    %get3A_238 = tpu.vector_load %arg12[%get3A_237] {strides = array<i32>} : memref<80xi32, #tpu.memory_space<vmem>>, vector<16xi32>,
    tpu.vector_store_idx %arg15[%get3A_238], %broadcast_in_dim3A_3 {add = true} : memref<10240xf32, #tpu.memory_space<vmem>>[vector<16xi32>], vector<16xf32>,
    %dma_wait3A_239 = arith.constant 0 : i32
    %dma_wait3A_240 = arith.constant 0 : i32
    %dma_wait3A_241 = tpu.memref_slice %arg2[%dma_wait3A_239, %dma_wait3A_240] : memref<10000x128xf32, #tpu.memory_space<hbm>> -> memref<10000x128xf32, #tpu.memory_space<hbm>>
    tpu.wait_indirect_dma semaphore(%arg19 : memref<!tpu.dma_semaphore, #tpu.memory_space<semaphore_mem>>) src(%dma_wait3A_241 : memref<10000x128xf32, #tpu.memory_space<hbm>>) dst(%arg7 : memref<80x128xf32, #tpu.memory_space<vmem>>)
    %dma_start3A_242 = arith.constant 0 : i32
    %dma_start3A_243 = arith.constant 0 : i32
    %dma_start3A_244 = tpu.memref_slice %arg17[%dma_start3A_242, %dma_start3A_243] : memref<10240x128xf32, #tpu.memory_space<vmem_shared>> -> memref<10240x128xf32, #tpu.memory_space<vmem_shared>>
    tpu.enqueue_indirect_dma source(%arg7 : memref<80x128xf32, #tpu.memory_space<vmem>>) target(%dma_start3A_244 : memref<10240x128xf32, #tpu.memory_space<vmem_shared>>) offsets(%arg13 : memref<80xi32, #tpu.memory_space<vmem>>) semaphore(%arg25 : memref<!tpu.dma_semaphore, #tpu.memory_space<semaphore_mem>>) {add = true}
    %get3A_245 = arith.constant 0 : index
    %get3A_246 = tpu.vector_load %arg13[%get3A_245] {strides = array<i32>} : memref<80xi32, #tpu.memory_space<vmem>>, vector<16xi32>,
    tpu.vector_store_idx %arg15[%get3A_246], %broadcast_in_dim3A_3 {add = true} : memref<10240xf32, #tpu.memory_space<vmem>>[vector<16xi32>], vector<16xf32>,
    %get3A_247 = arith.constant 16 : index
    %get3A_248 = tpu.vector_load %arg13[%get3A_247] {strides = array<i32>} : memref<80xi32, #tpu.memory_space<vmem>>, vector<16xi32>,
    tpu.vector_store_idx %arg15[%get3A_248], %broadcast_in_dim3A_3 {add = true} : memref<10240xf32, #tpu.memory_space<vmem>>[vector<16xi32>], vector<16xf32>,
    %get3A_249 = arith.constant 32 : index
    %get3A_250 = tpu.vector_load %arg13[%get3A_249] {strides = array<i32>} : memref<80xi32, #tpu.memory_space<vmem>>, vector<16xi32>,
    tpu.vector_store_idx %arg15[%get3A_250], %broadcast_in_dim3A_3 {add = true} : memref<10240xf32, #tpu.memory_space<vmem>>[vector<16xi32>], vector<16xf32>,
    %get3A_251 = arith.constant 48 : index
    %get3A_252 = tpu.vector_load %arg13[%get3A_251] {strides = array<i32>} : memref<80xi32, #tpu.memory_space<vmem>>, vector<16xi32>,
    tpu.vector_store_idx %arg15[%get3A_252], %broadcast_in_dim3A_3 {add = true} : memref<10240xf32, #tpu.memory_space<vmem>>[vector<16xi32>], vector<16xf32>,
    %get3A_253 = arith.constant 64 : index
    %get3A_254 = tpu.vector_load %arg13[%get3A_253] {strides = array<i32>} : memref<80xi32, #tpu.memory_space<vmem>>, vector<16xi32>,
    tpu.vector_store_idx %arg15[%get3A_254], %broadcast_in_dim3A_3 {add = true} : memref<10240xf32, #tpu.memory_space<vmem>>[vector<16xi32>], vector<16xf32>,
    %dma_wait3A_255 = arith.constant 0 : i32
    %dma_wait3A_256 = arith.constant 0 : i32
    %dma_wait3A_257 = tpu.memref_slice %arg17[%dma_wait3A_255, %dma_wait3A_256] : memref<10240x128xf32, #tpu.memory_space<vmem_shared>> -> memref<10240x128xf32, #tpu.memory_space<vmem_shared>>
    tpu.wait_indirect_dma semaphore(%arg26 : memref<!tpu.dma_semaphore, #tpu.memory_space<semaphore_mem>>) src(%arg8 : memref<80x128xf32, #tpu.memory_space<vmem>>) dst(%dma_wait3A_257 : memref<10240x128xf32, #tpu.memory_space<vmem_shared>>)
    %dma_wait3A_258 = arith.constant 0 : i32
    %dma_wait3A_259 = arith.constant 0 : i32
    %dma_wait3A_260 = tpu.memref_slice %arg17[%dma_wait3A_258, %dma_wait3A_259] : memref<10240x128xf32, #tpu.memory_space<vmem_shared>> -> memref<10240x128xf32, #tpu.memory_space<vmem_shared>>
    tpu.wait_indirect_dma semaphore(%arg24 : memref<!tpu.dma_semaphore, #tpu.memory_space<semaphore_mem>>) src(%arg6 : memref<80x128xf32, #tpu.memory_space<vmem>>) dst(%dma_wait3A_260 : memref<10240x128xf32, #tpu.memory_space<vmem_shared>>)
    %dma_wait3A_261 = arith.constant 0 : i32
    %dma_wait3A_262 = arith.constant 0 : i32
    %dma_wait3A_263 = tpu.memref_slice %arg17[%dma_wait3A_261, %dma_wait3A_262] : memref<10240x128xf32, #tpu.memory_space<vmem_shared>> -> memref<10240x128xf32, #tpu.memory_space<vmem_shared>>
    tpu.wait_indirect_dma semaphore(%arg25 : memref<!tpu.dma_semaphore, #tpu.memory_space<semaphore_mem>>) src(%arg7 : memref<80x128xf32, #tpu.memory_space<vmem>>) dst(%dma_wait3A_263 : memref<10240x128xf32, #tpu.memory_space<vmem_shared>>)
    %barrier3A_264 = arith.constant 0 : index
    tpu.barrier barrier_id(%barrier3A_264)
    "tpu.region"() ({
      %run_scoped3A = tpu.sem_alloc : memref<!tpu.dma_semaphore, #tpu.memory_space<semaphore_mem>>
      %dma_start3A_267 = arith.constant 0 : i32
      %dma_start3A_268 = tpu.memref_slice %arg4[%arg0, %mul3A_16, %dma_start3A_267] : memref<2x10240x128xf32, #tpu.memory_space<hbm>> -> memref<1x640x128xf32, #tpu.memory_space<hbm>>
      %dma_start3A_269 = tpu.memref_squeeze %dma_start3A_268 : memref<1x640x128xf32, #tpu.memory_space<hbm>> -> memref<640x128xf32, #tpu.memory_space<hbm>>
      %dma_start3A_270 = arith.constant 0 : i32
      %dma_start3A_271 = tpu.memref_slice %arg17[%mul3A_16, %dma_start3A_270] : memref<10240x128xf32, #tpu.memory_space<vmem_shared>> -> memref<640x128xf32, #tpu.memory_space<vmem_shared>>
      tpu.enqueue_dma source(%dma_start3A_271 : memref<640x128xf32, #tpu.memory_space<vmem_shared>>) target(%dma_start3A_269 : memref<640x128xf32, #tpu.memory_space<hbm>>) target_semaphore(%run_scoped3A : memref<!tpu.dma_semaphore, #tpu.memory_space<semaphore_mem>>)
      %dma_wait3A_272 = arith.constant 0 : i32
      %dma_wait3A_273 = tpu.memref_slice %arg4[%arg0, %mul3A_16, %dma_wait3A_272] : memref<2x10240x128xf32, #tpu.memory_space<hbm>> -> memref<1x640x128xf32, #tpu.memory_space<hbm>>
      %dma_wait3A_274 = tpu.memref_squeeze %dma_wait3A_273 : memref<1x640x128xf32, #tpu.memory_space<hbm>> -> memref<640x128xf32, #tpu.memory_space<hbm>>
      %dma_wait3A_275 = arith.constant 0 : i32
      %dma_wait3A_276 = tpu.memref_slice %arg17[%mul3A_16, %dma_wait3A_275] : memref<10240x128xf32, #tpu.memory_space<vmem_shared>> -> memref<640x128xf32, #tpu.memory_space<vmem_shared>>
      tpu.wait_dma2 semaphore(%run_scoped3A : memref<!tpu.dma_semaphore, #tpu.memory_space<semaphore_mem>>) src(%dma_wait3A_276 : memref<640x128xf32, #tpu.memory_space<vmem_shared>>) dst(%dma_wait3A_274 : memref<640x128xf32, #tpu.memory_space<hbm>>)
      tpu.yield
    }) : () -> ()
    %mul3A_265 = arith.constant 10240 : i32
    %mul3A_266 = arith.muli %add3A, %mul3A_265 : i32
    "tpu.region"() ({
      %run_scoped3A = tpu.sem_alloc : memref<!tpu.dma_semaphore, #tpu.memory_space<semaphore_mem>>
      %dma_start3A_267 = tpu.memref_slice %arg5[%mul3A_266] : memref<327680xf32, #tpu.memory_space<hbm>> -> memref<10240xf32, #tpu.memory_space<hbm>>
      %dma_start3A_268 = tpu.memref_slice %arg5[%mul3A_266] : memref<327680xf32, #tpu.memory_space<hbm>> -> memref<10240xf32, #tpu.memory_space<hbm>>
      tpu.enqueue_dma source(%arg15 : memref<10240xf32, #tpu.memory_space<vmem>>) target(%dma_start3A_268 : memref<10240xf32, #tpu.memory_space<hbm>>) target_semaphore(%run_scoped3A : memref<!tpu.dma_semaphore, #tpu.memory_space<semaphore_mem>>)
      %dma_wait3A_269 = tpu.memref_slice %arg5[%mul3A_266] : memref<327680xf32, #tpu.memory_space<hbm>> -> memref<10240xf32, #tpu.memory_space<hbm>>
      %dma_wait3A_270 = tpu.memref_slice %arg5[%mul3A_266] : memref<327680xf32, #tpu.memory_space<hbm>> -> memref<10240xf32, #tpu.memory_space<hbm>>
      tpu.wait_dma2 semaphore(%run_scoped3A : memref<!tpu.dma_semaphore, #tpu.memory_space<semaphore_mem>>) src(%arg15 : memref<10240xf32, #tpu.memory_space<vmem>>) dst(%dma_wait3A_270 : memref<10240xf32, #tpu.memory_space<hbm>>)
      tpu.yield
    }) : () -> ()
    return
  }
}

module attributes {stable_mosaic.version = 14 : i64} {
  func.func @_combine_body(%arg0: i32, %arg1: memref<2048x128xf32, #tpu.memory_space<vmem>>, %arg2: memref<2x2048x128xf32, #tpu.memory_space<vmem>>, %arg3: memref<32x10240xf32, #tpu.memory_space<vmem>>, %arg4: memref<128x128xf32, #tpu.memory_space<vmem>>, %arg5: memref<128x128xf32, #tpu.memory_space<vmem>>, %arg6: memref<1x128xf32, #tpu.memory_space<vmem>>, %arg7: memref<2048x128xf32, #tpu.memory_space<vmem>>) attributes {dimension_semantics = [#tpu.dimension_semantics<arbitrary>], iteration_bounds = array<i64: 5>, scalar_prefetch = 0 : i64, scratch_operands = 0 : i64, tpu.core_type = #tpu.core_type<tc>, window_params = [{transform_indices = @transform_0, window_bounds = array<i64: 2048, 128>}, {transform_indices = @transform_1, window_bounds = array<i64: 2, 2048, 128>}, {pipeline_mode = #tpu.pipeline_mode<synchronous>, transform_indices = @transform_2, window_bounds = array<i64: 32, 10240>}, {pipeline_mode = #tpu.pipeline_mode<synchronous>, transform_indices = @transform_3, window_bounds = array<i64: 128, 128>}, {pipeline_mode = #tpu.pipeline_mode<synchronous>, transform_indices = @transform_4, window_bounds = array<i64: 128, 128>}, {pipeline_mode = #tpu.pipeline_mode<synchronous>, transform_indices = @transform_5, window_bounds = array<i64: 1, 128>}, {transform_indices = @transform_6, window_bounds = array<i64: 2048, 128>}]} {
    %get3A = arith.constant 0 : index
    %get3A_0 = arith.constant 0 : index
    %get3A_1 = arith.constant 0 : index
    %get3A_2 = vector.load %arg2[%get3A, %get3A_0, %get3A_1] : memref<2x2048x128xf32, #tpu.memory_space<vmem>>, vector<1x2048x128xf32>
    %get3A_3 = vector.shape_cast %get3A_2 : vector<1x2048x128xf32> to vector<2048x128xf32>
    %get3A_4 = arith.constant 1 : index
    %get3A_5 = arith.constant 0 : index
    %get3A_6 = arith.constant 0 : index
    %get3A_7 = vector.load %arg2[%get3A_4, %get3A_5, %get3A_6] : memref<2x2048x128xf32, #tpu.memory_space<vmem>>, vector<1x2048x128xf32>
    %get3A_8 = vector.shape_cast %get3A_7 : vector<1x2048x128xf32> to vector<2048x128xf32>
    %add3A = arith.addf %get3A_3, %get3A_8 : vector<2048x128xf32>
    %mul3A = arith.constant 2048 : i32
    %mul3A_9 = arith.muli %arg0, %mul3A : i32
    %get3A_10 = arith.constant 0 : index
    %get3A_11 = arith.index_cast %mul3A_9 : i32 to index
    %get3A_12 = vector.load %arg3[%get3A_10, %get3A_11] : memref<32x10240xf32, #tpu.memory_space<vmem>>, vector<32x2048xf32>
    %reduce_sum3A = arith.constant dense<0.000000e+00> : vector<2048xf32>
    %reduce_sum3A_13 = vector.multi_reduction <add>, %get3A_12, %reduce_sum3A [0] : vector<32x2048xf32> to vector<2048xf32>
    %reshape3A = vector.shape_cast %reduce_sum3A_13 : vector<2048xf32> to vector<2048x1xf32>
    %max3A = arith.constant 1.000000e+00 : f32
    %max3A_14 = vector.broadcast %max3A : f32 to vector<2048x1xf32>
    %max3A_15 = arith.maximumf %reshape3A, %max3A_14 : vector<2048x1xf32>
    %div3A = arith.constant 1.000000e+00 : f32
    %div3A_16 = vector.broadcast %div3A : f32 to vector<2048x1xf32>
    %div3A_17 = arith.divf %div3A_16, %max3A_15 : vector<2048x1xf32>
    %mul3A_18 = vector.broadcast %div3A_17 : vector<2048x1xf32> to vector<2048x128xf32>
    %mul3A_19 = arith.mulf %add3A, %mul3A_18 : vector<2048x128xf32>
    %get3A_20 = arith.constant 0 : index
    %get3A_21 = arith.constant 0 : index
    %get3A_22 = vector.load %arg1[%get3A_20, %get3A_21] : memref<2048x128xf32, #tpu.memory_space<vmem>>, vector<2048x128xf32>
    %get3A_23 = arith.constant 0 : index
    %get3A_24 = arith.constant 0 : index
    %get3A_25 = vector.load %arg4[%get3A_23, %get3A_24] : memref<128x128xf32, #tpu.memory_space<vmem>>, vector<128x128xf32>
    %dot_general3A = arith.constant dense<0.000000e+00> : vector<2048x128xf32>
    %dot_general3A_26 = tpu.matmul %get3A_22, %get3A_25, %dot_general3A {dimension_numbers = #tpu.dot_dimension_numbers<[1], [0], [0], [1], [0, 0, 1, 1], [], []>, transpose_lhs_hint = false} : vector<2048x128xf32>, vector<128x128xf32>, vector<2048x128xf32> -> vector<2048x128xf32>
    %get3A_27 = arith.constant 0 : index
    %get3A_28 = arith.constant 0 : index
    %get3A_29 = vector.load %arg5[%get3A_27, %get3A_28] : memref<128x128xf32, #tpu.memory_space<vmem>>, vector<128x128xf32>
    %dot_general3A_30 = arith.constant dense<0.000000e+00> : vector<2048x128xf32>
    %dot_general3A_31 = tpu.matmul %mul3A_19, %get3A_29, %dot_general3A_30 {dimension_numbers = #tpu.dot_dimension_numbers<[1], [0], [0], [1], [0, 0, 1, 1], [], []>, transpose_lhs_hint = false} : vector<2048x128xf32>, vector<128x128xf32>, vector<2048x128xf32> -> vector<2048x128xf32>
    %add3A_32 = arith.addf %dot_general3A_26, %dot_general3A_31 : vector<2048x128xf32>
    %get3A_33 = arith.constant 0 : index
    %get3A_34 = arith.constant 0 : index
    %get3A_35 = vector.load %arg6[%get3A_33, %get3A_34] : memref<1x128xf32, #tpu.memory_space<vmem>>, vector<1x128xf32>
    %add3A_36 = vector.broadcast %get3A_35 : vector<1x128xf32> to vector<2048x128xf32>
    %add3A_37 = arith.addf %add3A_32, %add3A_36 : vector<2048x128xf32>
    %swap3A = arith.constant 0 : index
    %swap3A_38 = arith.constant 0 : index
    %swap3A_39 = vector.load %arg7[%swap3A, %swap3A_38] : memref<2048x128xf32, #tpu.memory_space<vmem>>, vector<2048x128xf32>
    tpu.vector_store %arg7[%swap3A, %swap3A_38], %add3A_37 {strides = array<i32>} : memref<2048x128xf32, #tpu.memory_space<vmem>>, vector<2048x128xf32>,
    return
  }
  func.func @transform_0(%arg0: i32) -> (i32, i32) {
    %c0_i32 = arith.constant 0 : i32
    %c0_i32_0 = arith.constant 0 : i32
    return %arg0, %c0_i32 : i32, i32
  }
  func.func @transform_1(%arg0: i32) -> (i32, i32, i32) {
    %c0_i32 = arith.constant 0 : i32
    %c0_i32_0 = arith.constant 0 : i32
    %c0_i32_1 = arith.constant 0 : i32
    return %c0_i32, %arg0, %c0_i32_0 : i32, i32, i32
  }
  func.func @transform_2(%arg0: i32) -> (i32, i32) {
    %c0_i32 = arith.constant 0 : i32
    %c0_i32_0 = arith.constant 0 : i32
    %c0_i32_1 = arith.constant 0 : i32
    return %c0_i32, %c0_i32_0 : i32, i32
  }
  func.func @transform_3(%arg0: i32) -> (i32, i32) {
    %c0_i32 = arith.constant 0 : i32
    %c0_i32_0 = arith.constant 0 : i32
    %c0_i32_1 = arith.constant 0 : i32
    return %c0_i32, %c0_i32_0 : i32, i32
  }
  func.func @transform_4(%arg0: i32) -> (i32, i32) {
    %c0_i32 = arith.constant 0 : i32
    %c0_i32_0 = arith.constant 0 : i32
    %c0_i32_1 = arith.constant 0 : i32
    return %c0_i32, %c0_i32_0 : i32, i32
  }
  func.func @transform_5(%arg0: i32) -> (i32, i32) {
    %c0_i32 = arith.constant 0 : i32
    %c0_i32_0 = arith.constant 0 : i32
    %c0_i32_1 = arith.constant 0 : i32
    return %c0_i32, %c0_i32_0 : i32, i32
  }
  func.func @transform_6(%arg0: i32) -> (i32, i32) {
    %c0_i32 = arith.constant 0 : i32
    %c0_i32_0 = arith.constant 0 : i32
    return %arg0, %c0_i32 : i32, i32
  }
}

</mosaic_0001>

<sc_bundles>
// kernel: kernel.4.cloned.1.call-start
scs
__scs_entry_jumppad:
0x0: {  	(pc) =	sbr.rel $0x88, $3  }
0x1: {  	(tag) =	ssettag $0x0;
	lr =	simm.s32 $0x1  }
0x2: {  	[smem:$0x3F9C] =	sst lr;
	_ =	strace $0xD0000000  }
0x3: {  	_ = 	snop  }
0x4: {  	_ = 	snop  }
0x5: {  	_ = 	snop  }
0x6: {  	_ = 	snop  }
0x7: {  	_ = 	snop  }
__scs_overlays_trampoline_lowered:
0x8: {  	[smem:$0x3FAB] =	sst s0  }
0x9: {  	[smem:$0x3FAC] =	sst s1  }
0xa: {  	[smem:$0x3FAD] =	sst s2  }
0xb: {  	[smem:$0x3FAE] =	sst s3  }
0xc: {  	[smem:$0x3FAF] =	sst s4  }
0xd: {  	[smem:$0x3FB0] =	sst s5  }
0xe: {  	[smem:$0x3FB1] =	sst s6  }
0xf: {  	[smem:$0x3FB2] =	sst s7  }
0x10: {  	[smem:$0x3FB3] =	sst s8  }
0x11: {  	[smem:$0x3FB4] =	sst s9;
	s0 =	simm.s32 @!p0 $0x0  }
0x12: {  	s1 =	sld [smem:$0x3F9A];
	s0 =	simm.s32 @p0 $0x1  }
0x13: {  	[smem:$0x3FB5] =	sst s0;
	s0 =	simm.s32 @!p1 $0x0  }
0x14: {  	s2 =	sld [smem:$0x3F99];
	s0 =	simm.s32 @p1 $0x1  }
0x15: {  	[smem:$0x3FB6] =	sst s0;
	s0 =	simm.s32 @!p2 $0x0  }
0x16: {  	s3 =	sld [smem:$0x3FDB];
	s0 =	simm.s32 @p2 $0x1  }
0x17: {  	s4 =	simm.s32 $0x1BF5;
	[smem:$0x3FB8] =	sst s0  }
0x18: {  	s0 =	sld [smem:$0x3F9B];
	_ =	swait.ge [sflag:s4], $0x0  }
0x19: {  	s7 =	sld [smem:$0x3F9C]  }
0x1a: {  	s8 =	sadd.s32 $0xFFFFE003, lr  }
0x1b: {  	s9 =	sadd.s32 $0xFFFFFEF7, lr;
	s5 =	simm.s32 $0xFFFFFFFF;
	p2 =	slt.u32 s8, $0xFFFFF086  }
0x1c: {  	p1 =	slt.u32 s9, $0xF7A;
	s5 =	simm.s32 @!p2 $0x0  }
0x1d: {  	s5 =	simm.s32 @p1 $0x1;
	p0 =	seq.s32 s7, s2  }
0x1e: {  	s7 =	smul.u32 @!p0 $0xF7A, s2;
	p2 =	seq.s32 @!p0 s5, $0x0  }
0x1f: {  	s9 =	smul.u32 $0xF7A, s1;
	s8 =	simm.s32 @!p0 $0x1BF5;
	p2 =	por !p2, p0  }
0x20: {  	[sflag:s8] =	ssyncset.s32 @!p0 $0xFFFFF086;
	s6 =	sadd.s32 @!p0 s3, s7;
	s7 =	simm.s32 @!p0 $0x108  }
0x21: {  	s3 =	sadd.s32 s3, s9;
	s6 =	sadd.s32 @!p0 $0x88, s6;
	s7 =	simm.s32 @p2 $0x1082  }
0x22: {  	[simem:s7], [sflag:s8] =	dma.local @!p0 [hbm:s6], $0xF7A  }
0x23: {  	s9 =	sor.u32 $0xD0000000, s2;
	s6 =	simm.s32 $0x108;
	_ =	swait.ge @!p0 [sflag:s8], $0x0  }
0x24: {  	s3 =	sadd.s32 $0x88, s3;
	s6 =	simm.s32 @!p1 $0x1082;
	[sflag:s4] =	ssyncset.s32 $0xFFFFF086  }
0x25: {  	[simem:s6], [sflag:s4] =	dma.local [hbm:s3], $0xF7A  }
0x26: {  	[smem:$0x3F9C] =	sst s1;
	(tag) =	ssettag s2;
	_ =	strace s9  }
0x27: {  	s1 =	sld [smem:$0x3FAC]  }
0x28: {  	s2 =	sld [smem:$0x3FAD]  }
0x29: {  	s4 =	sld [smem:$0x3FAF]  }
0x2a: {  	p0 =	seq.s32 s5, $0x0;
	s5 =	sld [smem:$0x3FB0]  }
0x2b: {  	s6 =	sld [smem:$0x3FB1]  }
0x2c: {  	s7 =	sld [smem:$0x3FB2]  }
0x2d: {  	s3 =	simm.s32 $0x108;
	s8 =	sld [smem:$0x3FB3]  }
0x2e: {  	s3 =	simm.s32 @!p0 $0x1082;
	s9 =	sld [smem:$0x3FB4]  }
0x2f: {  	lr =	sadd.s32 s0, s3;
	s0 =	sld [smem:$0x3FAB]  }
0x30: {  	s3 =	sld [smem:$0x3FAE]  }
0x31: {  	[smem:$0x3FB7] =	sst s10  }
0x32: {  	s10 =	sld [smem:$0x3FB5];
	_ =	sdelay $0x3  }
0x33: {  	p0 =	seq.s32 s10, $0x1;
	s10 =	sld [smem:$0x3FB7];
	_ =	sdelay $0x3  }
0x34: {  	[smem:$0x3FB7] =	sst s10  }
0x35: {  	s10 =	sld [smem:$0x3FB6];
	_ =	sdelay $0x3  }
0x36: {  	p1 =	seq.s32 s10, $0x1;
	s10 =	sld [smem:$0x3FB7];
	_ =	sdelay $0x3  }
0x37: {  	[smem:$0x3FB7] =	sst s10  }
0x38: {  	s10 =	sld [smem:$0x3FB8]  }
0x39: {  	_ = 	snop;
	(pc) =	sbr.ind lr, $3  }
0x3a: {  	_ = 	snop  }
0x3b: {  	_ = 	snop  }
0x3c: {  	p2 =	seq.s32 s10, $0x1;
	s10 =	sld [smem:$0x3FB7]  }
0x3d: {  	_ =	shalt  }
0x3e: {  	_ =	shalt  }
0x3f: {  	_ =	shalt  }
0x40: {  	_ =	shalt  }
0x41: {  	_ =	shalt  }
0x42: {  	_ =	shalt  }
0x43: {  	_ =	shalt  }
0x44: {  	_ =	shalt  }
0x45: {  	_ =	shalt  }
0x46: {  	_ =	shalt  }
0x47: {  	_ =	shalt  }
0x48: {  	_ =	shalt  }
0x49: {  	_ =	shalt  }
0x4a: {  	_ =	shalt  }
0x4b: {  	_ =	shalt  }
0x4c: {  	_ =	shalt  }
0x4d: {  	_ =	shalt  }
0x4e: {  	_ =	shalt  }
0x4f: {  	_ =	shalt  }
0x50: {  	_ =	shalt  }
0x51: {  	_ =	shalt  }
0x52: {  	_ =	shalt  }
0x53: {  	_ =	shalt  }
0x54: {  	_ =	shalt  }
0x55: {  	_ =	shalt  }
0x56: {  	_ =	shalt  }
0x57: {  	_ =	shalt  }
0x58: {  	_ =	shalt  }
0x59: {  	_ =	shalt  }
0x5a: {  	_ =	shalt  }
0x5b: {  	_ =	shalt  }
0x5c: {  	_ =	shalt  }
0x5d: {  	_ =	shalt  }
0x5e: {  	_ =	shalt  }
0x5f: {  	_ =	shalt  }
0x60: {  	_ =	shalt  }
0x61: {  	_ =	shalt  }
0x62: {  	_ =	shalt  }
0x63: {  	_ =	shalt  }
0x64: {  	_ =	shalt  }
0x65: {  	_ =	shalt  }
0x66: {  	_ =	shalt  }
0x67: {  	_ =	shalt  }
0x68: {  	_ =	shalt  }
0x69: {  	_ =	shalt  }
0x6a: {  	_ =	shalt  }
0x6b: {  	_ =	shalt  }
0x6c: {  	_ =	shalt  }
0x6d: {  	_ =	shalt  }
0x6e: {  	_ =	shalt  }
0x6f: {  	_ =	shalt  }
0x70: {  	_ =	shalt  }
0x71: {  	_ =	shalt  }
0x72: {  	_ =	shalt  }
0x73: {  	_ =	shalt  }
0x74: {  	_ =	shalt  }
0x75: {  	_ =	shalt  }
0x76: {  	_ =	shalt  }
0x77: {  	_ =	shalt  }
0x78: {  	_ =	shalt  }
0x79: {  	_ =	shalt  }
0x7a: {  	_ =	shalt  }
0x7b: {  	_ =	shalt  }
0x7c: {  	_ =	shalt  }
0x7d: {  	_ =	shalt  }
0x7e: {  	_ =	shalt  }
0x7f: {  	_ =	shalt  }
0x80: {  	_ =	shalt  }
0x81: {  	_ =	shalt  }
0x82: {  	_ =	shalt  }
0x83: {  	_ =	shalt  }
0x84: {  	_ =	shalt  }
0x85: {  	_ =	shalt  }
0x86: {  	_ =	shalt  }
0x87: {  	_ =	shalt  }
.Lfunc_end0:
.L_simem_size_0:
called_computation_lowered:
.L_overlay_start_0:
0x88: {  	s2 =	sld [smem:$0x3FD9]  }
0x89: {  	s3 =	sld [smem:$0x3FFE];
	_ =	sdelay $0x1  }
0x8a: {  	s1 =	srdreg.scid  }
0x8b: {  	s0 =	sand.u32 $0x1, s1  }
0x8c: {  	s17 =	sshll.u32 s0, $0xA;
	s2 =	sadd.s32 s3, s2  }
0x8d: {  	s2 =	sadd.s32 s2, s17  }
0x8e: {  	[smem:$0x3FC3] =	sst s2  }
0x8f: {  	_ = 	snop  }
0x90: {  	s2 =	sld [smem:$0x3FC9]  }
0x91: {  	s18 =	sld [smem:$0x3FD0];
	(tm) =	ssettm $0x1  }
0x92: {  	s4 =	sld [smem:$0x3FFB];
	_ =	sdelay $0x3  }
0x93: {  	_ =	strace s4  }
0x94: {  	s4 =	sld [smem:$0x3FFC];
	_ =	sdelay $0x3  }
0x95: {  	_ =	strace s4  }
0x96: {  	s4 =	sld [smem:$0x3FFD];
	_ =	sdelay $0x3  }
0x97: {  	_ =	strace s4  }
0x98: {  	_ =	strace $0x8FFFFFFF  }
0x99: {  	s19 =	sld [smem:$0x3FDB];
	_ =	sdelay $0x1  }
0x9a: {  	s5 =	simm.s32 $_scs_section_size  }
0x9b: {  	s6 =	simm.s32 $_size__tile_overlayer_lowered;
	s7 =	simm.s32 $_tile_overlayer_lowered  }
0x9c: {  	s22 =	simm.s32 $0x1BFF;
	s21 =	sshll.u32 s7, $0x1;
	s4 =	sadd.s32 s5, s19  }
0x9d: {  	s8 =	simm.s32 $0x0;
	s20 =	sshll.u32 s6, $0x1;
	s6 =	sadd.s32 s21, s4  }
0x9e: {  	[timem:s8], [sflag:s22] =	dma.local [hbm:s6], s20  }
0x9f: {  	_ =	swait.ge [sflag:s22], s20  }
0xa0: {  	s5 =	ssub.s32 $0x0, s20;
	[sflag:s22] =	ssyncset.done $0x0  }
0xa1: {  	[sflag:s22] =	ssyncadd.s32 s5;
	_ =	sdelay $0x1  }
0xa2: {  	s23 =	simm.s32 $0x1B8B  }
0xa3: {  	_ =	swait.ge [sflag:s23], $0x1  }
0xa4: {  	[sflag:s23] =	ssyncset.done $0x0  }
0xa5: {  	s25 =	simm.s32 $0x1B8E;
	s24 =	sld [smem:$0x3FFE];
	[sflag:s23] =	ssyncadd.s32 $0xFFFFFFFF  }
0xa6: {  	s26 =	simm.s32 $execute0_lowered;
	[smem:$0x3FD2] =	sst s25  }
0xa7: {  	s6 =	sshll.u32 s26, $0x1;
	_ =	strace $0x80000046;
	[dreg:$0x1] =	wrdreg $0xFFFFFFFF  }
0xa8: {  	s28 =	simm.s32 $_size_execute0_lowered;
	s4 =	sadd.s32 s4, s6;
	[dreg:$0x0] =	wrdreg $0x0  }
0xa9: {  	s6 =	sshll.u32 s28, $0x1;
	[dreg:$0x2] =	wrdreg s4  }
0xaa: {  	[dreg:$0x3] =	wrdreg s6  }
0xab: {  	[dreg:$0x4] =	wrdreg $0xC0  }
0xac: {  	_ =	task [dreg:s8], $0x5FFFF  }
0xad: {  	[dreg:$0x1] =	wrdreg $0xFFFFFFFF  }
0xae: {  	[dreg:$0x0] =	wrdreg $0x60  }
0xaf: {  	[dreg:$0x2] =	wrdreg s2  }
0xb0: {  	[dreg:$0x3] =	wrdreg s18  }
0xb1: {  	[dreg:$0x4] =	wrdreg s24  }
0xb2: {  	[dreg:$0x5] =	wrdreg $0xB3000  }
0xb3: {  	[dreg:$0x6] =	wrdreg $0x9  }
0xb4: {  	_ =	task.clear_ibuf [dreg:s8], $0x7FFFF;
	_ =	strace $0x90000046  }
0xb5: {  	s29 =	simm.s32 $0x9;
	_ =	strace $0x80000048  }
0xb6: {  	_ =	swait.ge [sflag:s29], $0x1  }
0xb7: {  	[sflag:s29] =	ssyncadd.s32 $0xFFFFFFFF  }
0xb8: {  	_ =	strace $0x90000048  }
0xb9: {  	_ =	sfence  }
0xba: {  	s30 =	sld [smem:$0x0];
	_ =	sdelay $0x2  }
0xbb: {  	s31 =	sshll.u32 s1, $0xD;
	s1 =	sshrl.u32 s1, $0x2  }
0xbc: {  	s3 =	sand.u32 $0x4000, s31;
	s1 =	sadd.s32 s1, s30  }
0xbd: {  	s0 =	sor.u32 s3, s0;
	s1 =	sshll.u32 s1, $0x11  }
0xbe: {  	s0 =	sor.u32 s1, s0  }
0xbf: {  	s0 =	sadd.s32 $0x8F2B, s0  }
0xc0: {  	[sflag:s0] =	ssyncadd.remote.s32 $0x1  }
0xc1: {  	_ =	sfence.sel $0xFFFF  }
0xc2: {  	[dreg:$0x0] =	wrdreg $0xFFFFFFFF;
	(pc) =	sbr.abs _section_cstart, $3  }
0xc3: {  	[dreg:$0x1] =	wrdreg $0xFFFFFFFF  }
0xc4: {  	_ =	task.clear_ibuf [dreg:s8], $0x2FFFF;
	_ =	strace $0x9FFFFFFF  }
0xc5: {  	(tm) =	ssettm $0x7FFFFFFF  }
tec
execute0_lowered:
.L_overlay_start_1:
0x0: {  	(tag) =	ssettag $0x1  }
0x1: {  	s0 =	rddreg [dreg:$0x0]  }
0x2: {  	s2 =	rddreg [dreg:$0x1]  }
0x3: {  	s1 =	srdreg.scid;
	s12 =	stileid.u32  }
0x4: {  	s3 =	rddreg [dreg:$0x2];
	s1 =	sand.u32 $0x1, s1;
	s7 =	smul.u32 $0x14000, s12  }
0x5: {  	s4 =	rddreg [dreg:$0x3];
	s5 =	simm.s32 $0x0;
	s6 =	smul.u32 $0x140000, s1  }
0x6: {  	[smem:$0x7FF] =	sst s5;
	s11 =	smul.u32 $0x50000, s12;
	s8 =	sshll.u32 s1, $0x4  }
0x7: {  	s21 =	smul.u32 $0x2710, s12;
	s14 =	sor.u32 s12, s8;
	s6 =	sadd.s32 s7, s6  }
0x8: {  	s10 =	ssub.s32 $0x2, s1;
	s7 =	smul.u32 $0x500, s14;
	s6 =	sshrl.u32 s6, $0x3  }
0x9: {  	s16 =	sshrl.u32 s10, $0x1;
	s19 =	sshrl.u32 s11, $0x2;
	s9 =	sadd.s32 s6, s3  }
0xa: {  	s3 =	sadd.s32 s7, s3;
	s7 =	ssub.s32 s10, s16;
	s10 =	sadd.s32 s19, s4  }
0xb: {  	_ =	strace $0x80000047;
	s1 =	smul.u32 $0x27100, s1;
	s24 =	sadd.s32 $0x1000, s10  }
0xc: {  	s8 =	smul.u32 $0x2710, s14;
	s25 =	sadd.s32 $0x2000, s10;
	[dreg:$0x10] =	wrdreg s24  }
0xd: {  	s1 =	sadd.s32 s21, s1;
	s26 =	sadd.s32 $0x3000, s10;
	[dreg:$0x11] =	wrdreg s25  }
0xe: {  	s13 =	sadd.s32 $0x190, s1;
	s11 =	sadd.s32 $0x4000, s10;
	[dreg:$0x12] =	wrdreg s26  }
0xf: {  	s15 =	sshrl.u32 s8, $0x3;
	s12 =	sadd.s32 $0x5000, s10;
	[dreg:$0x13] =	wrdreg s11  }
0x10: {  	s8 =	sshrl.u32 s13, $0x3;
	s14 =	sadd.s32 $0x6000, s10;
	[dreg:$0x14] =	wrdreg s12  }
0x11: {  	s8 =	sadd.s32 s8, s2;
	[dreg:$0x15] =	wrdreg s14  }
0x12: {  	s3 =	sadd.s32 $0x1800, s3;
	[dreg:$0x5] =	wrdreg s8  }
0x13: {  	s13 =	sadd.s32 $0xA000, s10;
	[dreg:$0x1a] =	wrdreg s3  }
0x14: {  	s6 =	sadd.s32 s2, s15;
	[dreg:$0x1d] =	wrdreg s13  }
0x15: {  	s17 =	sadd.s32 $0x9C40, s6;
	[dreg:$0xa] =	wrdreg s6  }
0x16: {  	s18 =	sadd.s32 $0xA, s6;
	[dreg:$0xb] =	wrdreg s17  }
0x17: {  	s20 =	sadd.s32 $0x9C4A, s6;
	[dreg:$0xc] =	wrdreg s18  }
0x18: {  	s28 =	simm.s32 $0xA;
	s22 =	sadd.s32 $0x14, s6;
	[dreg:$0xd] =	wrdreg s20  }
0x19: {  	s29 =	simm.s32 $0x1;
	s23 =	sadd.s32 $0x9C54, s6;
	[dreg:$0xe] =	wrdreg s22  }
0x1a: {  	s30 =	simm.s32 $0x7B00;
	s24 =	sadd.s32 $0x8000, s10;
	[dreg:$0xf] =	wrdreg s23  }
0x1b: {  	s31 =	simm.s32 $0x6;
	s26 =	sadd.s32 $0x9000, s10;
	[dreg:$0x17] =	wrdreg s24  }
0x1c: {  	s16 =	sadd.s32 $0x140, s1;
	s12 =	smax.u32 s7, $0x1;
	[dreg:$0x18] =	wrdreg s26  }
0x1d: {  	s15 =	sadd.s32 $0x4E390, s1;
	s14 =	sadd.s32 $0xB000, s10;
	[dreg:$0x1b] =	wrdreg s12  }
0x1e: {  	s11 =	sshrl.u32 s15, $0x3;
	s15 =	sadd.s32 $0xC000, s10;
	[dreg:$0x1e] =	wrdreg s14  }
0x1f: {  	s3 =	simm.s32 $0x5000;
	s17 =	sadd.s32 s11, s2;
	[dreg:$0x1f] =	wrdreg s15  }
0x20: {  	s20 =	sadd.s32 $0x4E340, s1;
	s23 =	sadd.s32 $0x7000, s10;
	[dreg:$0x6] =	wrdreg s17  }
0x21: {  	s22 =	sadd.s32 $0x4E2F0, s1;
	s1 =	sadd.s32 $0xF0, s1;
	[dreg:$0x16] =	wrdreg s23  }
0x22: {  	s18 =	sshrl.u32 s16, $0x3;
	s16 =	sadd.s32 $0xD000, s10;
	[dreg:$0x1c] =	wrdreg s1  }
0x23: {  	s7 =	simm.s32 $0x8;
	s24 =	sadd.s32 $0xA10E, s6;
	[smem:$0x7F3] =	sst s16  }
0x24: {  	s26 =	sadd.s32 $0xA118, s6;
	s15 =	simm.s32 $0x7800;
	[smem:$0x7FB] =	sst s24  }
0x25: {  	s19 =	sadd.s32 s18, s2;
	s21 =	sshrl.u32 s20, $0x3;
	[smem:$0x7FD] =	sst s26  }
0x26: {  	s11 =	sshrl.u32 s22, $0x3;
	s17 =	sadd.s32 $0xE000, s10;
	[dreg:$0x7] =	wrdreg s19  }
0x27: {  	s18 =	sadd.s32 $0xF000, s10;
	s20 =	sadd.s32 $0x11000, s10;
	[smem:$0x7F4] =	sst s17  }
0x28: {  	s22 =	sadd.s32 $0x13000, s10;
	s23 =	sadd.s32 $0x4CE, s6;
	[smem:$0x7F5] =	sst s18  }
0x29: {  	s16 =	simm.s32 $0x7980;
	s24 =	simm.s32 $0x2800;
	[smem:$0x7F7] =	sst s20  }
0x2a: {  	s26 =	simm.s32 $0xA300;
	s1 =	simm.s32 $0x2;
	[smem:$0x7F9] =	sst s22  }
0x2b: {  	s8 =	sadd.s32 s21, s2;
	s25 =	sadd.s32 s11, s2;
	[smem:$0x7FA] =	sst s23  }
0x2c: {  	s11 =	sadd.s32 $0xB800, s9;
	s19 =	sadd.s32 $0x10000, s10;
	[dreg:$0x8] =	wrdreg s8  }
0x2d: {  	s21 =	sadd.s32 $0x12000, s10;
	s17 =	simm.s32 $0x7880;
	[dreg:$0x9] =	wrdreg s25  }
0x2e: {  	s18 =	simm.s32 $0x7A00;
	s20 =	simm.s32 $0x50;
	[dreg:$0x19] =	wrdreg s11  }
0x2f: {  	s22 =	simm.s32 $0x7A80;
	s23 =	simm.s32 $0x5;
	[smem:$0x7F6] =	sst s19  }
0x30: {  	s9 =	simm.s32 $0x9;
	[smem:$0x7F8] =	sst s21;
	s25 =	sadd.s32 $0x4D8, s6  }
0x31: {  	s19 =	simm.s32 $0x4;
	s21 =	simm.s32 $0x7900;
	s8 =	simm.s32 $0x3  }
0x32: {  	v0 =	vimm.f32 $0.0e+00;
	v1 =	vimm.f32 $1.000000000e+00;
	s11 =	simm.s32 $0x0;
	[smem:$0x7FC] =	sst s25;
	s25 =	simm.s32 $0x7  }
.LBB2_1:
0x33: {  	s12 =	simm.s32 $0x0;
	s13 =	simm.s32 $0x200  }
.LBB2_2:
0x34: {  	p0 =	sne.s32 s13, $0x3E00;
	[tilespmem:s12+$0xA370] =	vst v0  }
0x35: {  	[tilespmem:s12+$0xA300] =	vst v0  }
0x36: {  	[tilespmem:s12+$0xA310] =	vst v0  }
.Ltmp0:
0x37: {  	[tilespmem:s12+$0xA320] =	vst v0;
	(pc) =	sbr.rel @p0 .LBB2_2-.Ltmp0, $4  }
0x38: {  	[tilespmem:s12+$0xA330] =	vst v0  }
0x39: {  	[tilespmem:s12+$0xA340] =	vst v0  }
0x3a: {  	[tilespmem:s12+$0xA350] =	vst v0  }
0x3b: {  	[tilespmem:s12+$0xA360] =	vst v0;
	s12 =	sshra.s32 s13, $0x2;
	s13 =	sadd.s32 $0x200, s13  }
0x3c: {  	[tilespmem:s12+$0xA370] =	vst v0  }
0x3d: {  	[tilespmem:s12+$0xA300] =	vst v0  }
0x3e: {  	[tilespmem:s12+$0xA310] =	vst v0  }
0x3f: {  	[tilespmem:s12+$0xA320] =	vst v0  }
0x40: {  	[tilespmem:s12+$0xA330] =	vst v0  }
0x41: {  	[tilespmem:s12+$0xA340] =	vst v0  }
0x42: {  	[tilespmem:s12+$0xA350] =	vst v0  }
0x43: {  	[tilespmem:s12+$0xA360] =	vst v0;
	s12 =	simm.s32 $0x40;
	s13 =	simm.s32 $0x0  }
.LBB2_4:
0x44: {  	p0 =	sne.s32 s12, $0x9FC0;
	[tilespmem:s13+$0x7B00] =	vst v0;
	s13 =	smov.u32 s12;
	s12 =	sadd.s32 $0x40, s12  }
.Ltmp1:
0x45: {  	(pc) =	sbr.rel @p0 .LBB2_4-.Ltmp1, $2  }
0x46: {  	_ =	sdelay $0x2  }
0x47: {  	s13 =	sshra.s32 s13, $0x2  }
0x48: {  	[tilespmem:s13+$0x7B00] =	vst v0;
	s12 =	simm.s32 $0x0;
	s6 =	rddreg [dreg:$0xa]  }
0x49: {  	[tilespmem:s15], [sflag:$0x4] =	stream.linear.gather [hbm4b:s6+s12], $0x50, $0x38;
	[tilespmem:$0x1F300] =	vst v63  }
0x4a: {  	s13 =	rddreg [dreg:$0xb]  }
0x4b: {  	[tilespmem:s16], [sflag:$0x4] =	stream.linear.gather [hbm4b:s13+s12], $0x50, $0x38;
	[tilespmem:$0x1F300] =	vst v63  }
0x4c: {  	s14 =	rddreg [dreg:$0xc]  }
0x4d: {  	[tilespmem:s17], [sflag:$0x5] =	stream.linear.gather [hbm4b:s14+s12], $0x50, $0x38;
	[tilespmem:$0x1F300] =	vst v63  }
0x4e: {  	s13 =	rddreg [dreg:$0xd]  }
0x4f: {  	[tilespmem:s18], [sflag:$0x5] =	stream.linear.gather [hbm4b:s13+s12], $0x50, $0x38;
	[tilespmem:$0x1F300] =	vst v63  }
0x50: {  	_ =	swait.ge [sflag:s19], $0x50  }
0x51: {  	[sflag:s19] =	ssyncset.done $0x0  }
0x52: {  	[sflag:s19] =	ssyncadd.s32 $0xFFFFFFB0  }
0x53: {  	_ =	swait.ge [sflag:s19], $0x50  }
0x54: {  	[sflag:s19] =	ssyncset.done $0x0  }
0x55: {  	[sflag:s19] =	ssyncadd.s32 $0xFFFFFFB0  }
0x56: {  	[tilespmem:s12], [sflag:$0x1] =	stream.indirect.gather [hbm4b:s0+s20], $0x80, s15, s20, $0xb8;
	[tilespmem:$0x1F300] =	vst v63  }
0x57: {  	s14 =	rddreg [dreg:$0xe]  }
0x58: {  	[tilespmem:s21], [sflag:$0x6] =	stream.linear.gather [hbm4b:s14+s12], $0x50, $0x38;
	[tilespmem:$0x1F300] =	vst v63  }
0x59: {  	s13 =	rddreg [dreg:$0xf]  }
0x5a: {  	[tilespmem:s22], [sflag:$0x6] =	stream.linear.gather [hbm4b:s13+s12], $0x50, $0x38;
	[tilespmem:$0x1F300] =	vst v63  }
0x5b: {  	_ =	swait.ge [sflag:s23], $0x50  }
0x5c: {  	[sflag:s23] =	ssyncset.done $0x0  }
0x5d: {  	[sflag:s23] =	ssyncadd.s32 $0xFFFFFFB0  }
0x5e: {  	_ =	swait.ge [sflag:s23], $0x50  }
0x5f: {  	[sflag:s23] =	ssyncset.done $0x0  }
0x60: {  	[sflag:s23] =	ssyncadd.s32 $0xFFFFFFB0  }
0x61: {  	[tilespmem:s24], [sflag:$0x2] =	stream.indirect.gather [hbm4b:s0+s20], $0x80, s17, s20, $0xb8;
	[tilespmem:$0x1F300] =	vst v63  }
0x62: {  	_ = 	snop  }
0x63: {  	[spmem:s10] =	stream.linear.scatter [tilespmem:s26], [sflag:$0xA], $0x1000, $0x38;
	[tilespmem:$0x1F300] =	vst v63  }
0x64: {  	_ =	swait.ge [sflag:s28], $0x1000  }
0x65: {  	[sflag:s28] =	ssyncset.done $0x0  }
0x66: {  	s14 =	rddreg [dreg:$0x10];
	[sflag:s28] =	ssyncadd.s32 $0xFFFFF000  }
0x67: {  	[spmem:s14] =	stream.linear.scatter [tilespmem:s26], [sflag:$0xA], $0x1000, $0x38;
	[tilespmem:$0x1F300] =	vst v63  }
0x68: {  	_ =	swait.ge [sflag:s28], $0x1000  }
0x69: {  	[sflag:s28] =	ssyncset.done $0x0  }
0x6a: {  	s13 =	rddreg [dreg:$0x11];
	[sflag:s28] =	ssyncadd.s32 $0xFFFFF000  }
0x6b: {  	[spmem:s13] =	stream.linear.scatter [tilespmem:s26], [sflag:$0xA], $0x1000, $0x38;
	[tilespmem:$0x1F300] =	vst v63  }
0x6c: {  	_ =	swait.ge [sflag:s28], $0x1000  }
0x6d: {  	[sflag:s28] =	ssyncset.done $0x0  }
0x6e: {  	s14 =	rddreg [dreg:$0x12];
	[sflag:s28] =	ssyncadd.s32 $0xFFFFF000  }
0x6f: {  	[spmem:s14] =	stream.linear.scatter [tilespmem:s26], [sflag:$0xA], $0x1000, $0x38;
	[tilespmem:$0x1F300] =	vst v63  }
0x70: {  	_ =	swait.ge [sflag:s28], $0x1000  }
0x71: {  	[sflag:s28] =	ssyncset.done $0x0  }
0x72: {  	s13 =	rddreg [dreg:$0x13];
	[sflag:s28] =	ssyncadd.s32 $0xFFFFF000  }
0x73: {  	[spmem:s13] =	stream.linear.scatter [tilespmem:s26], [sflag:$0xA], $0x1000, $0x38;
	[tilespmem:$0x1F300] =	vst v63  }
0x74: {  	_ =	swait.ge [sflag:s28], $0x1000  }
0x75: {  	[sflag:s28] =	ssyncset.done $0x0  }
0x76: {  	s14 =	rddreg [dreg:$0x14];
	[sflag:s28] =	ssyncadd.s32 $0xFFFFF000  }
0x77: {  	[spmem:s14] =	stream.linear.scatter [tilespmem:s26], [sflag:$0xA], $0x1000, $0x38;
	[tilespmem:$0x1F300] =	vst v63  }
0x78: {  	_ =	swait.ge [sflag:s28], $0x1000  }
0x79: {  	[sflag:s28] =	ssyncset.done $0x0  }
0x7a: {  	s13 =	rddreg [dreg:$0x15];
	[sflag:s28] =	ssyncadd.s32 $0xFFFFF000  }
0x7b: {  	[spmem:s13] =	stream.linear.scatter [tilespmem:s26], [sflag:$0xA], $0x1000, $0x38;
	[tilespmem:$0x1F300] =	vst v63  }
0x7c: {  	_ =	swait.ge [sflag:s28], $0x1000  }
0x7d: {  	[sflag:s28] =	ssyncset.done $0x0  }
0x7e: {  	s14 =	rddreg [dreg:$0x16];
	[sflag:s28] =	ssyncadd.s32 $0xFFFFF000  }
0x7f: {  	[spmem:s14] =	stream.linear.scatter [tilespmem:s26], [sflag:$0xA], $0x1000, $0x38;
	[tilespmem:$0x1F300] =	vst v63  }
0x80: {  	_ =	swait.ge [sflag:s28], $0x1000  }
0x81: {  	[sflag:s28] =	ssyncset.done $0x0  }
0x82: {  	s13 =	rddreg [dreg:$0x17];
	[sflag:s28] =	ssyncadd.s32 $0xFFFFF000  }
0x83: {  	[spmem:s13] =	stream.linear.scatter [tilespmem:s26], [sflag:$0xA], $0x1000, $0x38;
	[tilespmem:$0x1F300] =	vst v63  }
0x84: {  	_ =	swait.ge [sflag:s28], $0x1000  }
0x85: {  	[sflag:s28] =	ssyncset.done $0x0  }
0x86: {  	s14 =	rddreg [dreg:$0x18];
	[sflag:s28] =	ssyncadd.s32 $0xFFFFF000  }
0x87: {  	[spmem:s14] =	stream.linear.scatter [tilespmem:s26], [sflag:$0xA], $0x1000, $0x38;
	[tilespmem:$0x1F300] =	vst v63  }
0x88: {  	_ =	swait.ge [sflag:s28], $0x1000  }
0x89: {  	[sflag:s28] =	ssyncset.done $0x0  }
0x8a: {  	s13 =	rddreg [dreg:$0x1d];
	[sflag:s28] =	ssyncadd.s32 $0xFFFFF000  }
0x8b: {  	[spmem:s13] =	stream.linear.scatter [tilespmem:s26], [sflag:$0xA], $0x1000, $0x38;
	[tilespmem:$0x1F300] =	vst v63  }
0x8c: {  	_ =	swait.ge [sflag:s28], $0x1000  }
0x8d: {  	[sflag:s28] =	ssyncset.done $0x0  }
0x8e: {  	s14 =	rddreg [dreg:$0x1e];
	[sflag:s28] =	ssyncadd.s32 $0xFFFFF000  }
0x8f: {  	[spmem:s14] =	stream.linear.scatter [tilespmem:s26], [sflag:$0xA], $0x1000, $0x38;
	[tilespmem:$0x1F300] =	vst v63  }
0x90: {  	_ =	swait.ge [sflag:s28], $0x1000  }
0x91: {  	[sflag:s28] =	ssyncset.done $0x0  }
0x92: {  	s13 =	rddreg [dreg:$0x1f];
	[sflag:s28] =	ssyncadd.s32 $0xFFFFF000  }
0x93: {  	[spmem:s13] =	stream.linear.scatter [tilespmem:s26], [sflag:$0xA], $0x1000, $0x38;
	[tilespmem:$0x1F300] =	vst v63  }
0x94: {  	_ =	swait.ge [sflag:s28], $0x1000  }
0x95: {  	s14 =	sld [smem:$0x7F3]  }
0x96: {  	[sflag:s28] =	ssyncset.done $0x0  }
0x97: {  	[sflag:s28] =	ssyncadd.s32 $0xFFFFF000  }
0x98: {  	[spmem:s14] =	stream.linear.scatter [tilespmem:s26], [sflag:$0xA], $0x1000, $0x38;
	[tilespmem:$0x1F300] =	vst v63  }
0x99: {  	_ =	swait.ge [sflag:s28], $0x1000  }
0x9a: {  	s13 =	sld [smem:$0x7F4]  }
0x9b: {  	[sflag:s28] =	ssyncset.done $0x0  }
0x9c: {  	[sflag:s28] =	ssyncadd.s32 $0xFFFFF000  }
0x9d: {  	[spmem:s13] =	stream.linear.scatter [tilespmem:s26], [sflag:$0xA], $0x1000, $0x38;
	[tilespmem:$0x1F300] =	vst v63  }
0x9e: {  	_ =	swait.ge [sflag:s28], $0x1000  }
0x9f: {  	s14 =	sld [smem:$0x7F5]  }
0xa0: {  	[sflag:s28] =	ssyncset.done $0x0  }
0xa1: {  	[sflag:s28] =	ssyncadd.s32 $0xFFFFF000  }
0xa2: {  	[spmem:s14] =	stream.linear.scatter [tilespmem:s26], [sflag:$0xA], $0x1000, $0x38;
	[tilespmem:$0x1F300] =	vst v63  }
0xa3: {  	_ =	swait.ge [sflag:s28], $0x1000  }
0xa4: {  	s13 =	sld [smem:$0x7F6]  }
0xa5: {  	[sflag:s28] =	ssyncset.done $0x0  }
0xa6: {  	[sflag:s28] =	ssyncadd.s32 $0xFFFFF000  }
0xa7: {  	[spmem:s13] =	stream.linear.scatter [tilespmem:s26], [sflag:$0xA], $0x1000, $0x38;
	[tilespmem:$0x1F300] =	vst v63  }
0xa8: {  	_ =	swait.ge [sflag:s28], $0x1000  }
0xa9: {  	s14 =	sld [smem:$0x7F7]  }
0xaa: {  	[sflag:s28] =	ssyncset.done $0x0  }
0xab: {  	[sflag:s28] =	ssyncadd.s32 $0xFFFFF000  }
0xac: {  	[spmem:s14] =	stream.linear.scatter [tilespmem:s26], [sflag:$0xA], $0x1000, $0x38;
	[tilespmem:$0x1F300] =	vst v63  }
0xad: {  	_ =	swait.ge [sflag:s28], $0x1000  }
0xae: {  	s13 =	sld [smem:$0x7F8]  }
0xaf: {  	[sflag:s28] =	ssyncset.done $0x0  }
0xb0: {  	[sflag:s28] =	ssyncadd.s32 $0xFFFFF000  }
0xb1: {  	[spmem:s13] =	stream.linear.scatter [tilespmem:s26], [sflag:$0xA], $0x1000, $0x38;
	[tilespmem:$0x1F300] =	vst v63  }
0xb2: {  	_ =	swait.ge [sflag:s28], $0x1000  }
0xb3: {  	s14 =	sld [smem:$0x7F9]  }
0xb4: {  	[sflag:s28] =	ssyncset.done $0x0  }
0xb5: {  	[sflag:s28] =	ssyncadd.s32 $0xFFFFF000  }
0xb6: {  	[spmem:s14] =	stream.linear.scatter [tilespmem:s26], [sflag:$0xA], $0x1000, $0x38;
	[tilespmem:$0x1F300] =	vst v63  }
0xb7: {  	_ =	swait.ge [sflag:s28], $0x1000  }
0xb8: {  	[sflag:s28] =	ssyncset.done $0x0  }
0xb9: {  	[sflag:s28] =	ssyncadd.s32 $0xFFFFF000  }
0xba: {  	[bflag:$0x0] =	sbarrier.arrive $0xFFFF  }
0xbb: {  	_ =	swait.ge [sflag:s29], $0x2800  }
0xbc: {  	[sflag:s29] =	ssyncset.done $0x0  }
0xbd: {  	[sflag:s29] =	ssyncadd.s32 $0xFFFFD800  }
0xbe: {  	[spmem:s4] =	stream.indirect.scatter.add.f32 [tilespmem:s12], [sflag:$0x7], $0x80, s16, s20, $0xb8;
	[tilespmem:$0x1F300] =	vst v63  }
0xbf: {  	v2 =	vld [tilespmem:$0x7980];
	_ =	sdelay $0x7  }
0xc0: {  	[tilespmem:v2+s30+$0x0] =	vst.idx.add.f32.msk $0xffff, v1  }
0xc1: {  	v2 =	vld [tilespmem:$0x7990];
	_ =	sdelay $0x7  }
0xc2: {  	[tilespmem:v2+s30+$0x0] =	vst.idx.add.f32.msk $0xffff, v1  }
0xc3: {  	v2 =	vld [tilespmem:$0x79A0];
	_ =	sdelay $0x7  }
0xc4: {  	[tilespmem:v2+s30+$0x0] =	vst.idx.add.f32.msk $0xffff, v1  }
0xc5: {  	v2 =	vld [tilespmem:$0x79B0];
	_ =	sdelay $0x7  }
0xc6: {  	[tilespmem:v2+s30+$0x0] =	vst.idx.add.f32.msk $0xffff, v1  }
0xc7: {  	v2 =	vld [tilespmem:$0x79C0];
	_ =	sdelay $0x7  }
0xc8: {  	s13 =	rddreg [dreg:$0x1c];
	[tilespmem:v2+s30+$0x0] =	vst.idx.add.f32.msk $0xffff, v1  }
.LBB2_6:
0xc9: {  	_ =	swait.ge [sflag:s25], $0x2800  }
0xca: {  	s14 =	sshrl.u32 s13, $0x3;
	[sflag:s25] =	ssyncset.done $0x0  }
0xcb: {  	s6 =	rddreg [dreg:$0x9];
	s14 =	sadd.s32 s2, s14;
	[sflag:s25] =	ssyncadd.s32 $0xFFFFD800  }
0xcc: {  	[tilespmem:s15], [sflag:$0x4] =	stream.linear.gather [hbm4b:s14+s5], $0x50, $0x38;
	[tilespmem:$0x1F300] =	vst v63  }
0xcd: {  	s6 =	sadd.s32 s12, s6  }
0xce: {  	[tilespmem:s16], [sflag:$0x4] =	stream.linear.gather [hbm4b:s6+s5], $0x50, $0x38;
	[tilespmem:$0x1F300] =	vst v63  }
0xcf: {  	_ =	swait.ge [sflag:s31], $0x50  }
0xd0: {  	[sflag:s31] =	ssyncset.done $0x0  }
0xd1: {  	[sflag:s31] =	ssyncadd.s32 $0xFFFFFFB0  }
0xd2: {  	_ =	swait.ge [sflag:s31], $0x50  }
0xd3: {  	[sflag:s31] =	ssyncset.done $0x0  }
0xd4: {  	[sflag:s31] =	ssyncadd.s32 $0xFFFFFFB0  }
0xd5: {  	[tilespmem:s3], [sflag:$0x3] =	stream.indirect.gather [hbm4b:s0+s20], $0x80, s21, s20, $0xb8;
	[tilespmem:$0x1F300] =	vst v63  }
0xd6: {  	_ =	swait.ge [sflag:s1], $0x2800  }
0xd7: {  	[sflag:s1] =	ssyncset.done $0x0  }
0xd8: {  	[sflag:s1] =	ssyncadd.s32 $0xFFFFD800  }
0xd9: {  	[spmem:s4] =	stream.indirect.scatter.add.f32 [tilespmem:s24], [sflag:$0x8], $0x80, s18, s20, $0xb8;
	[tilespmem:$0x1F300] =	vst v63  }
0xda: {  	v2 =	vld [tilespmem:$0x7A00];
	_ =	sdelay $0x7  }
0xdb: {  	[tilespmem:v2+s30+$0x0] =	vst.idx.add.f32.msk $0xffff, v1  }
0xdc: {  	v2 =	vld [tilespmem:$0x7A10];
	_ =	sdelay $0x7  }
0xdd: {  	[tilespmem:v2+s30+$0x0] =	vst.idx.add.f32.msk $0xffff, v1  }
0xde: {  	v2 =	vld [tilespmem:$0x7A20];
	_ =	sdelay $0x7  }
0xdf: {  	[tilespmem:v2+s30+$0x0] =	vst.idx.add.f32.msk $0xffff, v1  }
0xe0: {  	v2 =	vld [tilespmem:$0x7A30];
	_ =	sdelay $0x7  }
0xe1: {  	[tilespmem:v2+s30+$0x0] =	vst.idx.add.f32.msk $0xffff, v1  }
0xe2: {  	v2 =	vld [tilespmem:$0x7A40];
	_ =	sdelay $0x7  }
0xe3: {  	[tilespmem:v2+s30+$0x0] =	vst.idx.add.f32.msk $0xffff, v1  }
0xe4: {  	_ =	swait.ge [sflag:s7], $0x2800  }
0xe5: {  	s6 =	rddreg [dreg:$0x7];
	[sflag:s7] =	ssyncset.done $0x0  }
0xe6: {  	s14 =	rddreg [dreg:$0x8];
	[sflag:s7] =	ssyncadd.s32 $0xFFFFD800;
	s6 =	sadd.s32 s12, s6  }
0xe7: {  	[tilespmem:s17], [sflag:$0x5] =	stream.linear.gather [hbm4b:s6+s5], $0x50, $0x38;
	[tilespmem:$0x1F300] =	vst v63  }
0xe8: {  	s14 =	sadd.s32 s12, s14  }
0xe9: {  	[tilespmem:s18], [sflag:$0x5] =	stream.linear.gather [hbm4b:s14+s5], $0x50, $0x38;
	[tilespmem:$0x1F300] =	vst v63  }
0xea: {  	_ =	swait.ge [sflag:s19], $0x50  }
0xeb: {  	[sflag:s19] =	ssyncset.done $0x0  }
0xec: {  	[sflag:s19] =	ssyncadd.s32 $0xFFFFFFB0  }
0xed: {  	_ =	swait.ge [sflag:s19], $0x50  }
0xee: {  	[sflag:s19] =	ssyncset.done $0x0  }
0xef: {  	[sflag:s19] =	ssyncadd.s32 $0xFFFFFFB0  }
0xf0: {  	[tilespmem:s5], [sflag:$0x1] =	stream.indirect.gather [hbm4b:s0+s20], $0x80, s15, s20, $0xb8;
	[tilespmem:$0x1F300] =	vst v63  }
0xf1: {  	_ =	swait.ge [sflag:s8], $0x2800  }
0xf2: {  	[sflag:s8] =	ssyncset.done $0x0  }
0xf3: {  	[sflag:s8] =	ssyncadd.s32 $0xFFFFD800  }
0xf4: {  	[spmem:s4] =	stream.indirect.scatter.add.f32 [tilespmem:s3], [sflag:$0x9], $0x80, s22, s20, $0xb8;
	[tilespmem:$0x1F300] =	vst v63  }
0xf5: {  	v2 =	vld [tilespmem:$0x7A80];
	_ =	sdelay $0x7  }
0xf6: {  	[tilespmem:v2+s30+$0x0] =	vst.idx.add.f32.msk $0xffff, v1  }
0xf7: {  	v2 =	vld [tilespmem:$0x7A90];
	_ =	sdelay $0x7  }
0xf8: {  	[tilespmem:v2+s30+$0x0] =	vst.idx.add.f32.msk $0xffff, v1  }
0xf9: {  	v2 =	vld [tilespmem:$0x7AA0];
	_ =	sdelay $0x7  }
0xfa: {  	[tilespmem:v2+s30+$0x0] =	vst.idx.add.f32.msk $0xffff, v1  }
0xfb: {  	v2 =	vld [tilespmem:$0x7AB0];
	_ =	sdelay $0x7  }
0xfc: {  	[tilespmem:v2+s30+$0x0] =	vst.idx.add.f32.msk $0xffff, v1  }
0xfd: {  	v2 =	vld [tilespmem:$0x7AC0];
	_ =	sdelay $0x7  }
0xfe: {  	[tilespmem:v2+s30+$0x0] =	vst.idx.add.f32.msk $0xffff, v1  }
0xff: {  	_ =	swait.ge [sflag:s9], $0x2800  }
0x100: {  	s6 =	rddreg [dreg:$0x5];
	[sflag:s9] =	ssyncset.done $0x0  }
0x101: {  	s14 =	rddreg [dreg:$0x6];
	[sflag:s9] =	ssyncadd.s32 $0xFFFFD800;
	s6 =	sadd.s32 s12, s6  }
0x102: {  	[tilespmem:s21], [sflag:$0x6] =	stream.linear.gather [hbm4b:s6+s5], $0x50, $0x38;
	[tilespmem:$0x1F300] =	vst v63  }
0x103: {  	s14 =	sadd.s32 s12, s14  }
0x104: {  	[tilespmem:s22], [sflag:$0x6] =	stream.linear.gather [hbm4b:s14+s5], $0x50, $0x38;
	[tilespmem:$0x1F300] =	vst v63  }
0x105: {  	_ =	swait.ge [sflag:s23], $0x50  }
0x106: {  	[sflag:s23] =	ssyncset.done $0x0  }
0x107: {  	[sflag:s23] =	ssyncadd.s32 $0xFFFFFFB0  }
0x108: {  	_ =	swait.ge [sflag:s23], $0x50  }
0x109: {  	[sflag:s23] =	ssyncset.done $0x0  }
0x10a: {  	[sflag:s23] =	ssyncadd.s32 $0xFFFFFFB0  }
0x10b: {  	[tilespmem:s24], [sflag:$0x2] =	stream.indirect.gather [hbm4b:s0+s20], $0x80, s17, s20, $0xb8;
	[tilespmem:$0x1F300] =	vst v63  }
0x10c: {  	_ =	swait.ge [sflag:s29], $0x2800  }
0x10d: {  	[sflag:s29] =	ssyncset.done $0x0  }
0x10e: {  	[sflag:s29] =	ssyncadd.s32 $0xFFFFD800  }
0x10f: {  	[spmem:s4] =	stream.indirect.scatter.add.f32 [tilespmem:s5], [sflag:$0x7], $0x80, s16, s20, $0xb8;
	[tilespmem:$0x1F300] =	vst v63  }
0x110: {  	v2 =	vld [tilespmem:$0x7980];
	_ =	sdelay $0x7  }
0x111: {  	[tilespmem:v2+s30+$0x0] =	vst.idx.add.f32.msk $0xffff, v1  }
0x112: {  	v2 =	vld [tilespmem:$0x7990];
	_ =	sdelay $0x7  }
0x113: {  	[tilespmem:v2+s30+$0x0] =	vst.idx.add.f32.msk $0xffff, v1  }
0x114: {  	v2 =	vld [tilespmem:$0x79A0];
	_ =	sdelay $0x7  }
0x115: {  	[tilespmem:v2+s30+$0x0] =	vst.idx.add.f32.msk $0xffff, v1  }
0x116: {  	v2 =	vld [tilespmem:$0x79B0];
	_ =	sdelay $0x7  }
0x117: {  	[tilespmem:v2+s30+$0x0] =	vst.idx.add.f32.msk $0xffff, v1  }
0x118: {  	v2 =	vld [tilespmem:$0x79C0];
	_ =	sdelay $0x2  }
0x119: {  	p0 =	sne.s32 s12, $0x492  }
.Ltmp2:
0x11a: {  	_ = 	snop;
	(pc) =	sbr.rel @p0 .LBB2_6-.Ltmp2, $2  }
0x11b: {  	_ =	sdelay $0x2  }
0x11c: {  	s13 =	sadd.s32 $0xF0, s13;
	s12 =	sadd.s32 $0x1E, s12;
	[tilespmem:v2+s30+$0x0] =	vst.idx.add.f32.msk $0xffff, v1  }
0x11d: {  	_ =	swait.ge [sflag:s25], $0x2800  }
0x11e: {  	s6 =	sld [smem:$0x7FA]  }
0x11f: {  	[sflag:s25] =	ssyncset.done $0x0  }
0x120: {  	s12 =	sld [smem:$0x7FB];
	[sflag:s25] =	ssyncadd.s32 $0xFFFFD800  }
0x121: {  	[tilespmem:s15], [sflag:$0x4] =	stream.linear.gather [hbm4b:s6+s5], $0x50, $0x38;
	[tilespmem:$0x1F300] =	vst v63  }
0x122: {  	_ = 	snop  }
0x123: {  	[tilespmem:s16], [sflag:$0x4] =	stream.linear.gather [hbm4b:s12+s5], $0x50, $0x38;
	[tilespmem:$0x1F300] =	vst v63  }
0x124: {  	_ =	swait.ge [sflag:s31], $0x50  }
0x125: {  	[sflag:s31] =	ssyncset.done $0x0  }
0x126: {  	[sflag:s31] =	ssyncadd.s32 $0xFFFFFFB0  }
0x127: {  	_ =	swait.ge [sflag:s31], $0x50  }
0x128: {  	[sflag:s31] =	ssyncset.done $0x0  }
0x129: {  	[sflag:s31] =	ssyncadd.s32 $0xFFFFFFB0  }
0x12a: {  	[tilespmem:s3], [sflag:$0x3] =	stream.indirect.gather [hbm4b:s0+s20], $0x80, s21, s20, $0xb8;
	[tilespmem:$0x1F300] =	vst v63  }
0x12b: {  	_ =	swait.ge [sflag:s1], $0x2800  }
0x12c: {  	[sflag:s1] =	ssyncset.done $0x0  }
0x12d: {  	[sflag:s1] =	ssyncadd.s32 $0xFFFFD800  }
0x12e: {  	[spmem:s4] =	stream.indirect.scatter.add.f32 [tilespmem:s24], [sflag:$0x8], $0x80, s18, s20, $0xb8;
	[tilespmem:$0x1F300] =	vst v63  }
0x12f: {  	v2 =	vld [tilespmem:$0x7A00];
	_ =	sdelay $0x7  }
0x130: {  	[tilespmem:v2+s30+$0x0] =	vst.idx.add.f32.msk $0xffff, v1  }
0x131: {  	v2 =	vld [tilespmem:$0x7A10];
	_ =	sdelay $0x7  }
0x132: {  	[tilespmem:v2+s30+$0x0] =	vst.idx.add.f32.msk $0xffff, v1  }
0x133: {  	v2 =	vld [tilespmem:$0x7A20];
	_ =	sdelay $0x7  }
0x134: {  	[tilespmem:v2+s30+$0x0] =	vst.idx.add.f32.msk $0xffff, v1  }
0x135: {  	v2 =	vld [tilespmem:$0x7A30];
	_ =	sdelay $0x7  }
0x136: {  	[tilespmem:v2+s30+$0x0] =	vst.idx.add.f32.msk $0xffff, v1  }
0x137: {  	v2 =	vld [tilespmem:$0x7A40];
	_ =	sdelay $0x7  }
0x138: {  	[tilespmem:v2+s30+$0x0] =	vst.idx.add.f32.msk $0xffff, v1  }
0x139: {  	_ =	swait.ge [sflag:s7], $0x2800  }
0x13a: {  	s13 =	sld [smem:$0x7FC]  }
0x13b: {  	[sflag:s7] =	ssyncset.done $0x0  }
0x13c: {  	s14 =	sld [smem:$0x7FD];
	[sflag:s7] =	ssyncadd.s32 $0xFFFFD800  }
0x13d: {  	[tilespmem:s17], [sflag:$0x5] =	stream.linear.gather [hbm4b:s13+s5], $0x50, $0x38;
	[tilespmem:$0x1F300] =	vst v63  }
0x13e: {  	_ = 	snop  }
0x13f: {  	[tilespmem:s18], [sflag:$0x5] =	stream.linear.gather [hbm4b:s14+s5], $0x50, $0x38;
	[tilespmem:$0x1F300] =	vst v63  }
0x140: {  	_ =	swait.ge [sflag:s19], $0x50  }
0x141: {  	[sflag:s19] =	ssyncset.done $0x0  }
0x142: {  	[sflag:s19] =	ssyncadd.s32 $0xFFFFFFB0  }
0x143: {  	_ =	swait.ge [sflag:s19], $0x50  }
0x144: {  	[sflag:s19] =	ssyncset.done $0x0  }
0x145: {  	[sflag:s19] =	ssyncadd.s32 $0xFFFFFFB0  }
0x146: {  	[tilespmem:s5], [sflag:$0x1] =	stream.indirect.gather [hbm4b:s0+s20], $0x80, s15, s20, $0xb8;
	[tilespmem:$0x1F300] =	vst v63  }
0x147: {  	_ =	swait.ge [sflag:s8], $0x2800  }
0x148: {  	[sflag:s8] =	ssyncset.done $0x0  }
0x149: {  	[sflag:s8] =	ssyncadd.s32 $0xFFFFD800  }
0x14a: {  	[spmem:s4] =	stream.indirect.scatter.add.f32 [tilespmem:s3], [sflag:$0x9], $0x80, s22, s20, $0xb8;
	[tilespmem:$0x1F300] =	vst v63  }
0x14b: {  	v2 =	vld [tilespmem:$0x7A80];
	_ =	sdelay $0x7  }
0x14c: {  	[tilespmem:v2+s30+$0x0] =	vst.idx.add.f32.msk $0xffff, v1  }
0x14d: {  	v2 =	vld [tilespmem:$0x7A90];
	_ =	sdelay $0x7  }
0x14e: {  	[tilespmem:v2+s30+$0x0] =	vst.idx.add.f32.msk $0xffff, v1  }
0x14f: {  	v2 =	vld [tilespmem:$0x7AA0];
	_ =	sdelay $0x7  }
0x150: {  	[tilespmem:v2+s30+$0x0] =	vst.idx.add.f32.msk $0xffff, v1  }
0x151: {  	v2 =	vld [tilespmem:$0x7AB0];
	_ =	sdelay $0x7  }
0x152: {  	[tilespmem:v2+s30+$0x0] =	vst.idx.add.f32.msk $0xffff, v1  }
0x153: {  	v2 =	vld [tilespmem:$0x7AC0];
	_ =	sdelay $0x7  }
0x154: {  	[tilespmem:v2+s30+$0x0] =	vst.idx.add.f32.msk $0xffff, v1  }
0x155: {  	_ =	swait.ge [sflag:s23], $0x50  }
0x156: {  	[sflag:s23] =	ssyncset.done $0x0  }
0x157: {  	[sflag:s23] =	ssyncadd.s32 $0xFFFFFFB0  }
0x158: {  	_ =	swait.ge [sflag:s23], $0x50  }
0x159: {  	[sflag:s23] =	ssyncset.done $0x0  }
0x15a: {  	[sflag:s23] =	ssyncadd.s32 $0xFFFFFFB0  }
0x15b: {  	[tilespmem:s24], [sflag:$0x2] =	stream.indirect.gather [hbm4b:s0+s20], $0x80, s17, s20, $0xb8;
	[tilespmem:$0x1F300] =	vst v63  }
0x15c: {  	_ =	swait.ge [sflag:s29], $0x2800  }
0x15d: {  	[sflag:s29] =	ssyncset.done $0x0  }
0x15e: {  	[sflag:s29] =	ssyncadd.s32 $0xFFFFD800  }
0x15f: {  	[spmem:s4] =	stream.indirect.scatter.add.f32 [tilespmem:s5], [sflag:$0x7], $0x80, s16, s20, $0xb8;
	[tilespmem:$0x1F300] =	vst v63  }
0x160: {  	v2 =	vld [tilespmem:$0x7980];
	_ =	sdelay $0x7  }
0x161: {  	[tilespmem:v2+s30+$0x0] =	vst.idx.add.f32.msk $0xffff, v1  }
0x162: {  	v2 =	vld [tilespmem:$0x7990];
	_ =	sdelay $0x7  }
0x163: {  	[tilespmem:v2+s30+$0x0] =	vst.idx.add.f32.msk $0xffff, v1  }
0x164: {  	v2 =	vld [tilespmem:$0x79A0];
	_ =	sdelay $0x7  }
0x165: {  	[tilespmem:v2+s30+$0x0] =	vst.idx.add.f32.msk $0xffff, v1  }
0x166: {  	v2 =	vld [tilespmem:$0x79B0];
	_ =	sdelay $0x7  }
0x167: {  	[tilespmem:v2+s30+$0x0] =	vst.idx.add.f32.msk $0xffff, v1  }
0x168: {  	v2 =	vld [tilespmem:$0x79C0];
	_ =	sdelay $0x7  }
0x169: {  	[tilespmem:v2+s30+$0x0] =	vst.idx.add.f32.msk $0xffff, v1  }
0x16a: {  	_ =	swait.ge [sflag:s1], $0x2800  }
0x16b: {  	[sflag:s1] =	ssyncset.done $0x0  }
0x16c: {  	[sflag:s1] =	ssyncadd.s32 $0xFFFFD800  }
0x16d: {  	[spmem:s4] =	stream.indirect.scatter.add.f32 [tilespmem:s24], [sflag:$0x8], $0x80, s18, s20, $0xb8;
	[tilespmem:$0x1F300] =	vst v63  }
0x16e: {  	v2 =	vld [tilespmem:$0x7A00];
	_ =	sdelay $0x7  }
0x16f: {  	[tilespmem:v2+s30+$0x0] =	vst.idx.add.f32.msk $0xffff, v1  }
0x170: {  	v2 =	vld [tilespmem:$0x7A10];
	_ =	sdelay $0x7  }
0x171: {  	[tilespmem:v2+s30+$0x0] =	vst.idx.add.f32.msk $0xffff, v1  }
0x172: {  	v2 =	vld [tilespmem:$0x7A20];
	_ =	sdelay $0x7  }
0x173: {  	[tilespmem:v2+s30+$0x0] =	vst.idx.add.f32.msk $0xffff, v1  }
0x174: {  	v2 =	vld [tilespmem:$0x7A30];
	_ =	sdelay $0x7  }
0x175: {  	[tilespmem:v2+s30+$0x0] =	vst.idx.add.f32.msk $0xffff, v1  }
0x176: {  	v2 =	vld [tilespmem:$0x7A40];
	_ =	sdelay $0x7  }
0x177: {  	[tilespmem:v2+s30+$0x0] =	vst.idx.add.f32.msk $0xffff, v1  }
0x178: {  	_ =	swait.ge [sflag:s9], $0x2800  }
0x179: {  	[sflag:s9] =	ssyncset.done $0x0  }
0x17a: {  	[sflag:s9] =	ssyncadd.s32 $0xFFFFD800  }
0x17b: {  	_ =	swait.ge [sflag:s25], $0x2800  }
0x17c: {  	[sflag:s25] =	ssyncset.done $0x0  }
0x17d: {  	[sflag:s25] =	ssyncadd.s32 $0xFFFFD800  }
0x17e: {  	_ =	swait.ge [sflag:s7], $0x2800  }
0x17f: {  	[sflag:s7] =	ssyncset.done $0x0  }
0x180: {  	s12 =	stileid.u32;
	[sflag:s7] =	ssyncadd.s32 $0xFFFFD800  }
0x181: {  	s6 =	sshll.u32 s12, $0x6;
	[bflag:$0x0] =	sbarrier.arrive $0xFFFF  }
0x182: {  	s12 =	sshrl.u32 s10, $0x3;
	s6 =	sor.u32 $0x1C0A, s6;
	s13 =	rddreg [dreg:$0x19]  }
0x183: {  	[hbm:s13], [sflag:s6] =	dma.local [spmem:s12], $0x2800  }
0x184: {  	_ =	swait.ge [sflag:s28], $0x2800  }
0x185: {  	[sflag:s28] =	ssyncset.done $0x0  }
0x186: {  	s13 =	rddreg [dreg:$0x1a];
	[sflag:s28] =	ssyncadd.s32 $0xFFFFD800  }
0x187: {  	[hbm4b:s13+s5] =	stream.linear.scatter [tilespmem:s30], [sflag:$0xA], $0x2800, $0x38;
	[tilespmem:$0x1F300] =	vst v63  }
0x188: {  	_ =	swait.ge [sflag:s28], $0x2800  }
0x189: {  	s11 =	sadd.s32 $0x1, s11;
	s14 =	rddreg [dreg:$0x1b]  }
0x18a: {  	p0 =	sne.s32 s11, s14  }
.Ltmp3:
0x18b: {  	_ = 	snop;
	(pc) =	sbr.rel @p0 .LBB2_1-.Ltmp3, $3  }
0x18c: {  	_ =	sdelay $0x1  }
0x18d: {  	[sflag:s28] =	ssyncset.done $0x0  }
0x18e: {  	[sflag:s28] =	ssyncadd.s32 $0xFFFFD800  }
0x18f: {  	_ =	sfence.sel $0x180000  }
0x190: {  	[bflag:$0x0] =	sbarrier.arrive $0xFFFF  }
0x191: {  	_ =	strace $0x90000047  }
0x192: {  	s0 =	stileid.u32;
	[bflag:$0x2] =	sbarrier.arrive $0xFFFF  }
0x193: {  	p0 =	sne.s32 s0, $0x0;
	s0 =	rddreg [dreg:$0x4]  }
0x194: {  	s0 =	sadd.s32 @!p0 $0x100000, s0  }
0x195: {  	[sflag:s0] =	ssyncadd.tile.s32 @!p0 $0x1;
	_ =	shalt  }
.Lfunc_end2:
_tile_overlayer_lowered:
.L_overlay_start_2:
0x196: {  	(tag) =	ssettag $0x2  }
0x197: {  	s0 =	rddreg [dreg:$0x0];
	s2 =	stileid.u32  }
0x198: {  	s1 =	rddreg [dreg:$0x1];
	p0 =	sne.s32 s2, $0x0  }
0x199: {  	s3 =	rddreg [dreg:$0x2];
	[bflag:$0x3] =	sbarrier.arrive $0xFFFF;
	s2 =	simm.s32 @!p0 $0x1C0A  }
0x19a: {  	[timem:s3], [sflag:s2] =	dma.local @!p0 [hbm:s0], s1  }
0x19b: {  	s0 =	simm.s32 @!p0 $0xA  }
0x19c: {  	_ =	swait.ge @!p0 [sflag:s0], s1  }
0x19d: {  	s1 =	ssub.s32 @!p0 $0x0, s1;
	[sflag:s0] =	ssyncset.done @!p0 $0x0  }
0x19e: {  	[sflag:s0] =	ssyncadd.s32 @!p0 s1  }
0x19f: {  	[bflag:$0x3] =	sbarrier.arrive $0xFFFF  }
0x1a0: {  	_ =	shalt  }

</sc_bundles>
